<compile_context>
chip_gen: v7x
topology: tpu7x:2x2x1
jax: 0.10.2.dev20260603
libtpu: 0.0.44.dev20260713+nightly
codegen_flags: <defaults>
</compile_context>

<pallas_src>
import functools

import numpy as np
import jax
import jax.numpy as jnp
from jax import lax
from jax.experimental import pallas as pl
from jax.experimental.pallas import tpu as pltpu
from jax.experimental.pallas import tpu_sc as plsc

T = 2048
C = 1024
H = 16
HD = 64
NE = 8
DFF = 4096
EPAD = 128

BT = 256
NT = T // BT
FT = 256
NFT = T // FT
DC = 1024
NDC = DFF // DC

SC_CORES = 2
SC_SUBCORES = 16
NW = SC_CORES * SC_SUBCORES
RPW = T // NW

_SCALE = float(C) ** -0.5
_NEG = -1e30


def _rotary_const():
    t = np.arange(T, dtype=np.float32)
    f = np.arange(0, C, 2, dtype=np.float32) / C
    ang = 2.0 * np.pi * t[:, None] * f[None, :]
    emb = np.zeros((T, C), np.float32)
    emb[:, 0::2] = np.sin(ang)
    emb[:, 1::2] = np.cos(ang)
    return jnp.asarray(emb)


def _ln(x, g, b):
    m = jnp.mean(x, axis=-1, keepdims=True)
    v = jnp.mean((x - m) ** 2, axis=-1, keepdims=True)
    return (x - m) * lax.rsqrt(v + 1e-5) * g + b


def _dot_nt(a, b):
    return lax.dot_general(a, b, (((1,), (1,)), ((), ())),
                           preferred_element_type=jnp.float32)


def _dot_nn(a, b):
    return lax.dot_general(a, b, (((1,), (0,)), ((), ())),
                           preferred_element_type=jnp.float32)


def _dot_nt_bf(a, b):
    return lax.dot_general(a.astype(jnp.bfloat16), b.astype(jnp.bfloat16),
                           (((1,), (1,)), ((), ())),
                           preferred_element_type=jnp.float32)



def _qkv_body(x_ref, rot_ref, pos_ref, g_ref, b_ref, wq_ref, wk_ref, wv_ref,
              q_ref, k_ref, v_ref):
    h = _ln(x_ref[...] + rot_ref[...] + pos_ref[...], g_ref[...], b_ref[...])
    q_ref[...] = _dot_nt(h, wq_ref[...])
    k_ref[...] = _dot_nt(h, wk_ref[...])
    v_ref[...] = _dot_nt(h, wv_ref[...])


def _qkv(x2d, rot, pos, g, b, wq2, wk2, wv2):
    row = pl.BlockSpec((BT, C), lambda i: (i, 0))
    full = pl.BlockSpec((C, C), lambda i: (0, 0))
    vec = pl.BlockSpec((1, C), lambda i: (0, 0))
    return pl.pallas_call(
        _qkv_body,
        grid=(NT,),
        in_specs=[row, row, row, vec, vec, full, full, full],
        out_specs=[row, row, row],
        out_shape=[jax.ShapeDtypeStruct((T, C), jnp.float32)] * 3,
    )(x2d, rot, pos, g, b, wq2, wk2, wv2)



HP = H // 2
AT = 512
NAT = T // AT


def _attn_body(q_ref, k_ref, v_ref, o_ref):
    tq = pl.program_id(1)
    q = q_ref[...]
    k = k_ref[...]
    v = v_ref[...]
    ri = lax.broadcasted_iota(jnp.int32, (AT, T), 0) + tq * AT
    cj = lax.broadcasted_iota(jnp.int32, (AT, T), 1)
    causal = cj <= ri
    outs = []
    for hh in range(2):
        qh = q[:, hh * HD:(hh + 1) * HD]
        kh = k[:, hh * HD:(hh + 1) * HD]
        vh = v[:, hh * HD:(hh + 1) * HD]
        s = _dot_nt(qh, kh) * _SCALE
        s = jnp.where(causal, s, _NEG)
        m = jnp.max(s, axis=1, keepdims=True)
        p = jnp.exp(s - m)
        l = jnp.sum(p, axis=1, keepdims=True)
        pv = _dot_nn(p, vh)
        outs.append(pv / l)
    o_ref[...] = jnp.concatenate(outs, axis=1)


def _attn(q2d, k2d, v2d):
    qspec = pl.BlockSpec((AT, 2 * HD), lambda hp, tq: (tq, hp))
    kvspec = pl.BlockSpec((T, 2 * HD), lambda hp, tq: (0, hp))
    return pl.pallas_call(
        _attn_body,
        grid=(HP, NAT),
        in_specs=[qspec, kvspec, kvspec],
        out_specs=pl.BlockSpec((AT, 2 * HD), lambda hp, tq: (tq, hp)),
        out_shape=jax.ShapeDtypeStruct((T, C), jnp.float32),
    )(q2d, k2d, v2d)



def _proj_body(x_ref, a_ref, wot_ref, bo_ref, g_ref, b_ref, wg_ref,
               x2_ref, gl_ref):
    x2 = x_ref[...] + _dot_nn(a_ref[...], wot_ref[...]) + bo_ref[...]
    x2_ref[...] = x2
    h2 = _ln(x2, g_ref[...], b_ref[...])
    gl_ref[...] = _dot_nt(h2, wg_ref[...])


def _proj(x2d, att, wot, bo, g, b, wgp):
    row = pl.BlockSpec((BT, C), lambda i: (i, 0))
    vec = pl.BlockSpec((1, C), lambda i: (0, 0))
    return pl.pallas_call(
        _proj_body,
        grid=(NT,),
        in_specs=[row, row,
                  pl.BlockSpec((C, C), lambda i: (0, 0)),
                  vec, vec, vec,
                  pl.BlockSpec((EPAD, C), lambda i: (0, 0))],
        out_specs=[row, pl.BlockSpec((BT, EPAD), lambda i: (i, 0))],
        out_shape=[jax.ShapeDtypeStruct((T, C), jnp.float32),
                   jax.ShapeDtypeStruct((T, EPAD), jnp.float32)],
    )(x2d, att, wot, bo, g, b, wgp)



def _route_body(gl_ref, p_ref, se_ref):
    gl = gl_ref[...]
    cols = lax.broadcasted_iota(jnp.int32, (T, EPAD), 1)
    gl = jnp.where(cols < NE, gl, _NEG)
    m = jnp.max(gl, axis=1, keepdims=True)
    sel = jnp.min(jnp.where(gl == m, cols, EPAD), axis=1, keepdims=True)
    oh = (cols == sel).astype(jnp.float32)
    ri = lax.broadcasted_iota(jnp.int32, (T, T), 0)
    ci = lax.broadcasted_iota(jnp.int32, (T, T), 1)
    lmat = (ci < ri).astype(jnp.float32)
    cs = lax.dot_general(lmat, oh, (((1,), (0,)), ((), ())),
                         preferred_element_type=jnp.float32,
                         precision=lax.Precision.HIGHEST)
    rank = jnp.sum(oh * cs, axis=1, keepdims=True)
    counts = jnp.sum(oh, axis=0, keepdims=True)
    ei = lax.broadcasted_iota(jnp.int32, (EPAD, EPAD), 0)
    ej = lax.broadcasted_iota(jnp.int32, (EPAD, EPAD), 1)
    umat = (ei < ej).astype(jnp.float32)
    offs = lax.dot_general(counts, umat, (((1,), (0,)), ((), ())),
                           preferred_element_type=jnp.float32,
                           precision=lax.Precision.HIGHEST)
    pos = jnp.sum(oh * offs, axis=1, keepdims=True) + rank
    p_ref[...] = jnp.broadcast_to(pos.astype(jnp.int32), (T, EPAD))
    ends = offs + counts
    shmat = ((ei + NE) == ej).astype(jnp.float32)
    ends_sh = lax.dot_general(ends, shmat, (((1,), (0,)), ((), ())),
                              preferred_element_type=jnp.float32,
                              precision=lax.Precision.HIGHEST)
    ecol = lax.broadcasted_iota(jnp.int32, (1, EPAD), 1)
    packed = jnp.where(ecol < NE, offs,
                       jnp.where(ecol < 2 * NE, ends_sh, 0.0))
    se_ref[...] = packed.astype(jnp.int32)


def _route(gl):
    return pl.pallas_call(
        _route_body,
        grid=(1,),
        in_specs=[pl.BlockSpec((T, EPAD), lambda i: (0, 0))],
        out_specs=[pl.BlockSpec((T, EPAD), lambda i: (0, 0)),
                   pl.BlockSpec((1, EPAD), lambda i: (0, 0))],
        out_shape=[jax.ShapeDtypeStruct((T, EPAD), jnp.int32),
                   jax.ShapeDtypeStruct((1, EPAD), jnp.int32)],
    )(gl)



@functools.lru_cache(maxsize=None)
def _sc_kernels():
    mesh = plsc.VectorSubcoreMesh(core_axis_name="c", subcore_axis_name="s")
    common = dict(
        out_type=jax.ShapeDtypeStruct((T, C), jnp.float32),
        mesh=mesh,
        scratch_types=[
            pltpu.VMEM((RPW,), jnp.int32),
            pltpu.VMEM((RPW, C), jnp.float32),
            pltpu.SemaphoreType.DMA,
        ],
    )

    @functools.partial(pl.kernel, **common)
    def scatter_rows(x_hbm, p_hbm, out_hbm, idx_v, rows_v, sem):
        wid = lax.axis_index("s") * SC_CORES + lax.axis_index("c")
        base = wid * RPW
        pltpu.sync_copy(p_hbm.at[pl.ds(base, RPW)], idx_v)
        pltpu.sync_copy(x_hbm.at[pl.ds(base, RPW)], rows_v)
        pltpu.async_copy(rows_v, out_hbm.at[idx_v], sem).wait()

    @functools.partial(pl.kernel, **common)
    def gather_rows(ys_hbm, p_hbm, out_hbm, idx_v, rows_v, sem):
        wid = lax.axis_index("s") * SC_CORES + lax.axis_index("c")
        base = wid * RPW
        pltpu.sync_copy(p_hbm.at[pl.ds(base, RPW)], idx_v)
        pltpu.async_copy(ys_hbm.at[idx_v], rows_v, sem).wait()
        pltpu.sync_copy(rows_v, out_hbm.at[pl.ds(base, RPW)])

    return scatter_rows, gather_rows


def _sc_scatter_rows(x2, p):
    return _sc_kernels()[0](x2, p)


def _sc_gather_rows(ys, p):
    return _sc_kernels()[1](ys, p)



def _ffn_body(s_ref, e_ref, xs_ref, w1_ref, b1_ref, w2_ref, b2_ref,
              g_ref, b_ref, out_ref, h2_ref):
    e = pl.program_id(0)
    d = pl.program_id(1)
    ti = pl.program_id(2)

    @pl.when((e == 0) & (d == 0) & (ti == 0))
    def _init():
        xs = xs_ref[...]
        out_ref[...] = xs
        h2_ref[...] = _ln(xs, g_ref[...], b_ref[...])

    seg_s = s_ref[e]
    seg_e = e_ref[e]
    t = jnp.minimum(seg_s // FT + ti, NFT - 1)
    row0 = t * FT
    valid = (seg_s < seg_e) & (seg_s // FT + ti <= (seg_e - 1) // FT)

    @pl.when(valid)
    def _step():
        h2 = h2_ref[pl.ds(row0, FT), :]
        a = jnp.maximum(_dot_nt_bf(h2, w1_ref[0]) + b1_ref[0], 0.0)
        contrib = _dot_nt_bf(a, w2_ref[0])
        contrib = contrib + jnp.where(d == 0, 1.0, 0.0) * b2_ref[0]
        lo = jnp.maximum(seg_s - row0, 0)
        hi = jnp.minimum(seg_e - row0, FT)
        ri = lax.broadcasted_iota(jnp.int32, (FT, C), 0)
        mask = (ri >= lo) & (ri < hi)
        out_ref[pl.ds(row0, FT), :] += jnp.where(mask, contrib, 0.0)


def _ffn(xs, starts, ends, w1, b1, w2, b2, g, bb):
    grid_spec = pltpu.PrefetchScalarGridSpec(
        num_scalar_prefetch=2,
        grid=(NE, NDC, NFT),
        in_specs=[
            pl.BlockSpec((T, C), lambda e, d, ti, s, en: (0, 0)),
            pl.BlockSpec((1, DC, C), lambda e, d, ti, s, en: (e, d, 0)),
            pl.BlockSpec((1, 1, DC), lambda e, d, ti, s, en: (e, 0, d)),
            pl.BlockSpec((1, C, DC), lambda e, d, ti, s, en: (e, 0, d)),
            pl.BlockSpec((1, 1, C), lambda e, d, ti, s, en: (e, 0, 0)),
            pl.BlockSpec((1, C), lambda e, d, ti, s, en: (0, 0)),
            pl.BlockSpec((1, C), lambda e, d, ti, s, en: (0, 0)),
        ],
        out_specs=pl.BlockSpec((T, C), lambda e, d, ti, s, en: (0, 0)),
        scratch_shapes=[pltpu.VMEM((T, C), jnp.float32)],
    )
    return pl.pallas_call(
        _ffn_body,
        grid_spec=grid_spec,
        out_shape=jax.ShapeDtypeStruct((T, C), jnp.float32),
    )(starts, ends, xs, w1, b1.reshape(NE, 1, DFF), w2,
      b2.reshape(NE, 1, C), g, bb)



def kernel(x, pos_table, ln1_g, ln1_b, ln2_g, ln2_b, Wq, Wk, Wv, Wo, bo,
           Wg, W1, b1, W2, b2):
    x2d = x.reshape(T, C)
    rot = _rotary_const()
    g1 = ln1_g.reshape(1, C)
    b1v = ln1_b.reshape(1, C)
    g2 = ln2_g.reshape(1, C)
    b2v = ln2_b.reshape(1, C)
    wq2 = Wq.reshape(C, C)
    wk2 = Wk.reshape(C, C)
    wv2 = Wv.reshape(C, C)
    wot = Wo.T
    bo2 = bo.reshape(1, C)
    wgp = jnp.concatenate([Wg, jnp.zeros((EPAD - NE, C), jnp.float32)], axis=0)

    q2d, k2d, v2d = _qkv(x2d, rot, pos_table, g1, b1v, wq2, wk2, wv2)
    att = _attn(q2d, k2d, v2d)
    x2, gl = _proj(x2d, att, wot, bo2, g2, b2v, wgp)
    p2d, se = _route(gl)
    p = p2d[:, 0]
    starts = se[0, :NE]
    ends = se[0, NE:2 * NE]
    xs = _sc_scatter_rows(x2, p)
    ys = _ffn(xs, starts, ends, W1, b1, W2, b2, g2, b2v)
    out = _sc_gather_rows(ys, p)
    return out.reshape(1, T, C)

# --- scband reference (transcript-rebuilt; emitter-appended) ---
"""Pipeline reference for scband-block-16192026705931 (READ-ONLY COPY).

The authoritative reference and input builder live on the scoring server;
editing this copy changes nothing except your own understanding.
"""

import jax, jax.numpy as jnp
import numpy as np

B, T, N_EMBED, N_HEAD, N_EXP = 1, 2048, 1024, 16, 8
HD = N_EMBED // N_HEAD
D_FF = 4 * N_EMBED


def setup_inputs(seed: int = 0) -> dict:
    key = jax.random.key(seed)
    ks = jax.random.split(key, 12)
    s = 0.02
    return {
        "x": jax.random.normal(ks[0], (B, T, N_EMBED), dtype=jnp.float32),
        "pos_table": jax.random.normal(ks[1], (T, N_EMBED), dtype=jnp.float32) * s,
        "ln1_g": jnp.ones((N_EMBED,), jnp.float32),
        "ln1_b": jnp.zeros((N_EMBED,), jnp.float32),
        "ln2_g": jnp.ones((N_EMBED,), jnp.float32),
        "ln2_b": jnp.zeros((N_EMBED,), jnp.float32),
        "Wq": jax.random.normal(ks[2], (N_HEAD, HD, N_EMBED), dtype=jnp.float32) * s,
        "Wk": jax.random.normal(ks[3], (N_HEAD, HD, N_EMBED), dtype=jnp.float32) * s,
        "Wv": jax.random.normal(ks[4], (N_HEAD, HD, N_EMBED), dtype=jnp.float32) * s,
        "Wo": jax.random.normal(ks[5], (N_EMBED, N_EMBED), dtype=jnp.float32) * s,
        "bo": jnp.zeros((N_EMBED,), jnp.float32),
        "Wg": jax.random.normal(ks[6], (N_EXP, N_EMBED), dtype=jnp.float32) * s,
        "W1": jax.random.normal(ks[7], (N_EXP, D_FF, N_EMBED), dtype=jnp.float32) * s,
        "b1": jnp.zeros((N_EXP, D_FF), jnp.float32),
        "W2": jax.random.normal(ks[8], (N_EXP, N_EMBED, D_FF), dtype=jnp.float32) * s,
        "b2": jnp.zeros((N_EXP, N_EMBED), jnp.float32),
    }


def _layernorm(x, g, b):
    m = jnp.mean(x, axis=-1, keepdims=True)
    v = jnp.var(x, axis=-1, keepdims=True)
    return (x - m) / jnp.sqrt(v + 1e-5) * g + b


def _rotary(seq_len, dim):
    t = jnp.arange(seq_len, dtype=jnp.float32)
    f = jnp.arange(0, dim, 2, dtype=jnp.float32) / dim
    ang = 2.0 * np.pi * t[:, None] * f[None, :]
    emb = jnp.zeros((seq_len, dim), jnp.float32)
    emb = emb.at[:, 0::2].set(jnp.sin(ang))
    emb = emb.at[:, 1::2].set(jnp.cos(ang))
    return emb


def reference(x, pos_table, ln1_g, ln1_b, ln2_g, ln2_b, Wq, Wk, Wv, Wo, bo, Wg, W1, b1, W2, b2):
    Bv, Tv, C = x.shape
    # RotaryPositionalEmbedding: rotary emb + learned positional emb (gather)
    rope = _rotary(Tv, C) + jnp.take(pos_table, jnp.arange(Tv), axis=0)
    h = _layernorm(x + rope[None, :, :], ln1_g, ln1_b)
    # Multi-head causal attention (dropout is identity in eval mode)
    q = jnp.einsum('btc,hdc->bhtd', h, Wq)
    k = jnp.einsum('btc,hdc->bhtd', h, Wk)
    v = jnp.einsum('btc,hdc->bhtd', h, Wv)
    wei = jnp.einsum('bhtd,bhsd->bhts', q, k) * (C ** -0.5)
    mask = jnp.tril(jnp.ones((Tv, Tv), dtype=bool))
    wei = jnp.where(mask[None, None, :, :], wei, -jnp.inf)
    wei = jax.nn.softmax(wei, axis=-1)
    att = jnp.einsum('bhts,bhsd->bhtd', wei, v)
    att = jnp.transpose(att, (0, 2, 1, 3)).reshape(Bv, Tv, C)
    x = x + att @ Wo.T + bo
    # MoE layer: top-1 routing over 8 experts
    h2 = _layernorm(x, ln2_g, ln2_b).reshape(-1, C)
    gate_logits = h2 @ Wg.T
    w, sel = jax.lax.top_k(gate_logits, 1)
    w = jax.nn.softmax(w.astype(jnp.float32), axis=1).astype(h2.dtype)
    results = jnp.zeros_like(h2)
    for i in range(Wg.shape[0]):
        wi = jnp.sum(jnp.where(sel == i, w, 0.0), axis=1)
        eo = jax.nn.relu(h2 @ W1[i].T + b1[i]) @ W2[i].T + b2[i]
        results = results + wi[:, None] * eo
    x = x + results.reshape(Bv, Tv, C)
    return x


if False:  # reference __main__ guard neutralized (emitter)
    out = reference(**setup_inputs())
    print(out.shape, out.dtype)

if __name__ == "__main__":
    import jax
    _d = setup_inputs()
    print(jax.jit(kernel)(*tuple(_d.values())))

</pallas_src>

<mosaic_0001>
#map = affine_map<(d0, d1) -> (0, 0)>
#map1 = affine_map<(d0, d1) -> (0)>
module attributes {stable_mosaic.version = 14 : i64} {
  func.func @gather_rows(%arg0: i32, %arg1: i32, %arg2: memref<2048x1024xf32, #tpu.memory_space<hbm>>, %arg3: memref<2048xi32, #tpu.memory_space<hbm>>, %arg4: memref<2048x1024xf32, #tpu.memory_space<hbm>>, %arg5: memref<64xi32, #tpu.memory_space<vmem>>, %arg6: memref<64x1024xf32, #tpu.memory_space<vmem>>, %arg7: memref<!tpu.dma_semaphore, #tpu.memory_space<semaphore_mem>>) attributes {dimension_semantics = [#tpu.dimension_semantics<core_parallel>, #tpu.dimension_semantics<subcore_parallel>], iteration_bounds = array<i64: 2, 16>, scalar_prefetch = 0 : i64, scratch_operands = 3 : i64, tpu.core_type = #tpu.core_type<sc_vector_subcore>, window_params = [{transform_indices = #map}, {transform_indices = #map1}, {transform_indices = #map}]} {
    %mul3A = arith.constant 2 : i32
    %mul3A_0 = arith.muli %arg1, %mul3A : i32
    %add3A = arith.addi %mul3A_0, %arg0 : i32
    %mul3A_1 = arith.constant 64 : i32
    %mul3A_2 = arith.muli %add3A, %mul3A_1 : i32
    "tpu.region"() ({
      %run_scoped3A = tpu.sem_alloc : memref<!tpu.dma_semaphore, #tpu.memory_space<semaphore_mem>>
      %dma_start3A_7 = tpu.memref_slice %arg3[%mul3A_2] : memref<2048xi32, #tpu.memory_space<hbm>> -> memref<64xi32, #tpu.memory_space<hbm>>
      %dma_start3A_8 = tpu.memref_slice %arg3[%mul3A_2] : memref<2048xi32, #tpu.memory_space<hbm>> -> memref<64xi32, #tpu.memory_space<hbm>>
      tpu.enqueue_dma source(%dma_start3A_8 : memref<64xi32, #tpu.memory_space<hbm>>) target(%arg5 : memref<64xi32, #tpu.memory_space<vmem>>) target_semaphore(%run_scoped3A : memref<!tpu.dma_semaphore, #tpu.memory_space<semaphore_mem>>)
      %dma_wait3A_9 = tpu.memref_slice %arg3[%mul3A_2] : memref<2048xi32, #tpu.memory_space<hbm>> -> memref<64xi32, #tpu.memory_space<hbm>>
      %dma_wait3A_10 = tpu.memref_slice %arg3[%mul3A_2] : memref<2048xi32, #tpu.memory_space<hbm>> -> memref<64xi32, #tpu.memory_space<hbm>>
      tpu.wait_dma2 semaphore(%run_scoped3A : memref<!tpu.dma_semaphore, #tpu.memory_space<semaphore_mem>>) src(%dma_wait3A_10 : memref<64xi32, #tpu.memory_space<hbm>>) dst(%arg5 : memref<64xi32, #tpu.memory_space<vmem>>)
      tpu.yield
    }) : () -> ()
    %dma_start3A = arith.constant 0 : i32
    %dma_start3A_3 = arith.constant 0 : i32
    %dma_start3A_4 = tpu.memref_slice %arg2[%dma_start3A, %dma_start3A_3] : memref<2048x1024xf32, #tpu.memory_space<hbm>> -> memref<2048x1024xf32, #tpu.memory_space<hbm>>
    tpu.enqueue_indirect_dma source(%dma_start3A_4 : memref<2048x1024xf32, #tpu.memory_space<hbm>>) target(%arg6 : memref<64x1024xf32, #tpu.memory_space<vmem>>) offsets(%arg5 : memref<64xi32, #tpu.memory_space<vmem>>) semaphore(%arg7 : memref<!tpu.dma_semaphore, #tpu.memory_space<semaphore_mem>>)
    %dma_wait3A = arith.constant 0 : i32
    %dma_wait3A_5 = arith.constant 0 : i32
    %dma_wait3A_6 = tpu.memref_slice %arg2[%dma_wait3A, %dma_wait3A_5] : memref<2048x1024xf32, #tpu.memory_space<hbm>> -> memref<2048x1024xf32, #tpu.memory_space<hbm>>
    tpu.wait_indirect_dma semaphore(%arg7 : memref<!tpu.dma_semaphore, #tpu.memory_space<semaphore_mem>>) src(%dma_wait3A_6 : memref<2048x1024xf32, #tpu.memory_space<hbm>>) dst(%arg6 : memref<64x1024xf32, #tpu.memory_space<vmem>>)
    "tpu.region"() ({
      %run_scoped3A = tpu.sem_alloc : memref<!tpu.dma_semaphore, #tpu.memory_space<semaphore_mem>>
      %dma_start3A_7 = arith.constant 0 : i32
      %dma_start3A_8 = tpu.memref_slice %arg4[%mul3A_2, %dma_start3A_7] : memref<2048x1024xf32, #tpu.memory_space<hbm>> -> memref<64x1024xf32, #tpu.memory_space<hbm>>
      %dma_start3A_9 = arith.constant 0 : i32
      %dma_start3A_10 = tpu.memref_slice %arg4[%mul3A_2, %dma_start3A_9] : memref<2048x1024xf32, #tpu.memory_space<hbm>> -> memref<64x1024xf32, #tpu.memory_space<hbm>>
      tpu.enqueue_dma source(%arg6 : memref<64x1024xf32, #tpu.memory_space<vmem>>) target(%dma_start3A_10 : memref<64x1024xf32, #tpu.memory_space<hbm>>) target_semaphore(%run_scoped3A : memref<!tpu.dma_semaphore, #tpu.memory_space<semaphore_mem>>)
      %dma_wait3A_11 = arith.constant 0 : i32
      %dma_wait3A_12 = tpu.memref_slice %arg4[%mul3A_2, %dma_wait3A_11] : memref<2048x1024xf32, #tpu.memory_space<hbm>> -> memref<64x1024xf32, #tpu.memory_space<hbm>>
      %dma_wait3A_13 = arith.constant 0 : i32
      %dma_wait3A_14 = tpu.memref_slice %arg4[%mul3A_2, %dma_wait3A_13] : memref<2048x1024xf32, #tpu.memory_space<hbm>> -> memref<64x1024xf32, #tpu.memory_space<hbm>>
      tpu.wait_dma2 semaphore(%run_scoped3A : memref<!tpu.dma_semaphore, #tpu.memory_space<semaphore_mem>>) src(%arg6 : memref<64x1024xf32, #tpu.memory_space<vmem>>) dst(%dma_wait3A_14 : memref<64x1024xf32, #tpu.memory_space<hbm>>)
      tpu.yield
    }) : () -> ()
    return
  }
}

#map = affine_map<(d0, d1) -> (0, 0)>
#map1 = affine_map<(d0, d1) -> (0)>
module attributes {stable_mosaic.version = 14 : i64} {
  func.func @scatter_rows(%arg0: i32, %arg1: i32, %arg2: memref<2048x1024xf32, #tpu.memory_space<hbm>>, %arg3: memref<2048xi32, #tpu.memory_space<hbm>>, %arg4: memref<2048x1024xf32, #tpu.memory_space<hbm>>, %arg5: memref<64xi32, #tpu.memory_space<vmem>>, %arg6: memref<64x1024xf32, #tpu.memory_space<vmem>>, %arg7: memref<!tpu.dma_semaphore, #tpu.memory_space<semaphore_mem>>) attributes {dimension_semantics = [#tpu.dimension_semantics<core_parallel>, #tpu.dimension_semantics<subcore_parallel>], iteration_bounds = array<i64: 2, 16>, scalar_prefetch = 0 : i64, scratch_operands = 3 : i64, tpu.core_type = #tpu.core_type<sc_vector_subcore>, window_params = [{transform_indices = #map}, {transform_indices = #map1}, {transform_indices = #map}]} {
    %mul3A = arith.constant 2 : i32
    %mul3A_0 = arith.muli %arg1, %mul3A : i32
    %add3A = arith.addi %mul3A_0, %arg0 : i32
    %mul3A_1 = arith.constant 64 : i32
    %mul3A_2 = arith.muli %add3A, %mul3A_1 : i32
    "tpu.region"() ({
      %run_scoped3A = tpu.sem_alloc : memref<!tpu.dma_semaphore, #tpu.memory_space<semaphore_mem>>
      %dma_start3A_7 = tpu.memref_slice %arg3[%mul3A_2] : memref<2048xi32, #tpu.memory_space<hbm>> -> memref<64xi32, #tpu.memory_space<hbm>>
      %dma_start3A_8 = tpu.memref_slice %arg3[%mul3A_2] : memref<2048xi32, #tpu.memory_space<hbm>> -> memref<64xi32, #tpu.memory_space<hbm>>
      tpu.enqueue_dma source(%dma_start3A_8 : memref<64xi32, #tpu.memory_space<hbm>>) target(%arg5 : memref<64xi32, #tpu.memory_space<vmem>>) target_semaphore(%run_scoped3A : memref<!tpu.dma_semaphore, #tpu.memory_space<semaphore_mem>>)
      %dma_wait3A_9 = tpu.memref_slice %arg3[%mul3A_2] : memref<2048xi32, #tpu.memory_space<hbm>> -> memref<64xi32, #tpu.memory_space<hbm>>
      %dma_wait3A_10 = tpu.memref_slice %arg3[%mul3A_2] : memref<2048xi32, #tpu.memory_space<hbm>> -> memref<64xi32, #tpu.memory_space<hbm>>
      tpu.wait_dma2 semaphore(%run_scoped3A : memref<!tpu.dma_semaphore, #tpu.memory_space<semaphore_mem>>) src(%dma_wait3A_10 : memref<64xi32, #tpu.memory_space<hbm>>) dst(%arg5 : memref<64xi32, #tpu.memory_space<vmem>>)
      tpu.yield
    }) : () -> ()
    "tpu.region"() ({
      %run_scoped3A = tpu.sem_alloc : memref<!tpu.dma_semaphore, #tpu.memory_space<semaphore_mem>>
      %dma_start3A_7 = arith.constant 0 : i32
      %dma_start3A_8 = tpu.memref_slice %arg2[%mul3A_2, %dma_start3A_7] : memref<2048x1024xf32, #tpu.memory_space<hbm>> -> memref<64x1024xf32, #tpu.memory_space<hbm>>
      %dma_start3A_9 = arith.constant 0 : i32
      %dma_start3A_10 = tpu.memref_slice %arg2[%mul3A_2, %dma_start3A_9] : memref<2048x1024xf32, #tpu.memory_space<hbm>> -> memref<64x1024xf32, #tpu.memory_space<hbm>>
      tpu.enqueue_dma source(%dma_start3A_10 : memref<64x1024xf32, #tpu.memory_space<hbm>>) target(%arg6 : memref<64x1024xf32, #tpu.memory_space<vmem>>) target_semaphore(%run_scoped3A : memref<!tpu.dma_semaphore, #tpu.memory_space<semaphore_mem>>)
      %dma_wait3A_11 = arith.constant 0 : i32
      %dma_wait3A_12 = tpu.memref_slice %arg2[%mul3A_2, %dma_wait3A_11] : memref<2048x1024xf32, #tpu.memory_space<hbm>> -> memref<64x1024xf32, #tpu.memory_space<hbm>>
      %dma_wait3A_13 = arith.constant 0 : i32
      %dma_wait3A_14 = tpu.memref_slice %arg2[%mul3A_2, %dma_wait3A_13] : memref<2048x1024xf32, #tpu.memory_space<hbm>> -> memref<64x1024xf32, #tpu.memory_space<hbm>>
      tpu.wait_dma2 semaphore(%run_scoped3A : memref<!tpu.dma_semaphore, #tpu.memory_space<semaphore_mem>>) src(%dma_wait3A_14 : memref<64x1024xf32, #tpu.memory_space<hbm>>) dst(%arg6 : memref<64x1024xf32, #tpu.memory_space<vmem>>)
      tpu.yield
    }) : () -> ()
    %dma_start3A = arith.constant 0 : i32
    %dma_start3A_3 = arith.constant 0 : i32
    %dma_start3A_4 = tpu.memref_slice %arg4[%dma_start3A, %dma_start3A_3] : memref<2048x1024xf32, #tpu.memory_space<hbm>> -> memref<2048x1024xf32, #tpu.memory_space<hbm>>
    tpu.enqueue_indirect_dma source(%arg6 : memref<64x1024xf32, #tpu.memory_space<vmem>>) target(%dma_start3A_4 : memref<2048x1024xf32, #tpu.memory_space<hbm>>) offsets(%arg5 : memref<64xi32, #tpu.memory_space<vmem>>) semaphore(%arg7 : memref<!tpu.dma_semaphore, #tpu.memory_space<semaphore_mem>>)
    %dma_wait3A = arith.constant 0 : i32
    %dma_wait3A_5 = arith.constant 0 : i32
    %dma_wait3A_6 = tpu.memref_slice %arg4[%dma_wait3A, %dma_wait3A_5] : memref<2048x1024xf32, #tpu.memory_space<hbm>> -> memref<2048x1024xf32, #tpu.memory_space<hbm>>
    tpu.wait_indirect_dma semaphore(%arg7 : memref<!tpu.dma_semaphore, #tpu.memory_space<semaphore_mem>>) src(%arg6 : memref<64x1024xf32, #tpu.memory_space<vmem>>) dst(%dma_wait3A_6 : memref<2048x1024xf32, #tpu.memory_space<hbm>>)
    return
  }
}

module attributes {stable_mosaic.version = 14 : i64} {
  func.func @_attn_body(%arg0: i32, %arg1: i32, %arg2: memref<512x128xf32, #tpu.memory_space<vmem>>, %arg3: memref<2048x128xf32, #tpu.memory_space<vmem>>, %arg4: memref<2048x128xf32, #tpu.memory_space<vmem>>, %arg5: memref<512x128xf32, #tpu.memory_space<vmem>>) attributes {dimension_semantics = [#tpu.dimension_semantics<arbitrary>, #tpu.dimension_semantics<arbitrary>], iteration_bounds = array<i64: 8, 4>, scalar_prefetch = 0 : i64, scratch_operands = 0 : i64, tpu.core_type = #tpu.core_type<tc>, window_params = [{transform_indices = @transform_0, window_bounds = array<i64: 512, 128>}, {transform_indices = @transform_1, window_bounds = array<i64: 2048, 128>}, {transform_indices = @transform_2, window_bounds = array<i64: 2048, 128>}, {transform_indices = @transform_3, window_bounds = array<i64: 512, 128>}]} {
    %get3A = arith.constant 0 : index
    %get3A_0 = arith.constant 0 : index
    %get3A_1 = vector.load %arg2[%get3A, %get3A_0] : memref<512x128xf32, #tpu.memory_space<vmem>>, vector<512x128xf32>
    %get3A_2 = arith.constant 0 : index
    %get3A_3 = arith.constant 0 : index
    %get3A_4 = vector.load %arg3[%get3A_2, %get3A_3] : memref<2048x128xf32, #tpu.memory_space<vmem>>, vector<2048x128xf32>
    %get3A_5 = arith.constant 0 : index
    %get3A_6 = arith.constant 0 : index
    %get3A_7 = vector.load %arg4[%get3A_5, %get3A_6] : memref<2048x128xf32, #tpu.memory_space<vmem>>, vector<2048x128xf32>
    %iota3A = tpu.iota {dimensions = array<i32: 0>} : vector<512x2048xi32>
    %mul3A = arith.constant 512 : i32
    %mul3A_8 = arith.muli %arg1, %mul3A : i32
    %add3A = vector.broadcast %mul3A_8 : i32 to vector<512x2048xi32>
    %add3A_9 = arith.addi %iota3A, %add3A : vector<512x2048xi32>
    %iota3A_10 = tpu.iota {dimensions = array<i32: 1>} : vector<512x2048xi32>
    %le3A = arith.cmpi sle, %iota3A_10, %add3A_9 : vector<512x2048xi32>
    %slice3A = vector.extract_strided_slice %get3A_1 {offsets = [0, 0], sizes = [512, 64], strides = [1, 1]} : vector<512x128xf32> to vector<512x64xf32>
    %slice3A_11 = vector.extract_strided_slice %get3A_4 {offsets = [0, 0], sizes = [2048, 64], strides = [1, 1]} : vector<2048x128xf32> to vector<2048x64xf32>
    %slice3A_12 = vector.extract_strided_slice %get3A_7 {offsets = [0, 0], sizes = [2048, 64], strides = [1, 1]} : vector<2048x128xf32> to vector<2048x64xf32>
    %dot_general3A = arith.constant dense<0.000000e+00> : vector<512x2048xf32>
    %dot_general3A_13 = tpu.matmul %slice3A, %slice3A_11, %dot_general3A {dimension_numbers = #tpu.dot_dimension_numbers<[1], [1], [0], [0], [0, 0, 1, 0], [], []>, transpose_lhs_hint = false} : vector<512x64xf32>, vector<2048x64xf32>, vector<512x2048xf32> -> vector<512x2048xf32>
    %mul3A_14 = arith.constant 3.125000e-02 : f32
    %mul3A_15 = vector.broadcast %mul3A_14 : f32 to vector<512x2048xf32>
    %mul3A_16 = arith.mulf %dot_general3A_13, %mul3A_15 : vector<512x2048xf32>
    %jit3A = arith.constant -1.000000e+30 : f32
    %broadcast_in_dim3A = vector.broadcast %jit3A : f32 to vector<512x2048xf32>
    %select_n3A = arith.select %le3A, %mul3A_16, %broadcast_in_dim3A : vector<512x2048xi1>, vector<512x2048xf32>
    %reduce_max3A = arith.constant dense<0xFF800000> : vector<512xf32>
    %reduce_max3A_17 = vector.multi_reduction <maximumf>, %select_n3A, %reduce_max3A [1] : vector<512x2048xf32> to vector<512xf32>
    %broadcast_in_dim3A_18 = vector.shape_cast %reduce_max3A_17 : vector<512xf32> to vector<512x1xf32>
    %sub3A = vector.broadcast %broadcast_in_dim3A_18 : vector<512x1xf32> to vector<512x2048xf32>
    %sub3A_19 = arith.subf %select_n3A, %sub3A : vector<512x2048xf32>
    %exp3A = math.exp %sub3A_19 : vector<512x2048xf32>
    %reduce_sum3A = arith.constant dense<0.000000e+00> : vector<512xf32>
    %reduce_sum3A_20 = vector.multi_reduction <add>, %exp3A, %reduce_sum3A [1] : vector<512x2048xf32> to vector<512xf32>
    %broadcast_in_dim3A_21 = vector.shape_cast %reduce_sum3A_20 : vector<512xf32> to vector<512x1xf32>
    %dot_general3A_22 = arith.constant dense<0.000000e+00> : vector<512x64xf32>
    %dot_general3A_23 = tpu.matmul %exp3A, %slice3A_12, %dot_general3A_22 {dimension_numbers = #tpu.dot_dimension_numbers<[1], [0], [0], [1], [0, 0, 1, 1], [], []>, transpose_lhs_hint = false} : vector<512x2048xf32>, vector<2048x64xf32>, vector<512x64xf32> -> vector<512x64xf32>
    %div3A = vector.broadcast %broadcast_in_dim3A_21 : vector<512x1xf32> to vector<512x64xf32>
    %div3A_24 = arith.divf %dot_general3A_23, %div3A : vector<512x64xf32>
    %slice3A_25 = vector.extract_strided_slice %get3A_1 {offsets = [0, 64], sizes = [512, 64], strides = [1, 1]} : vector<512x128xf32> to vector<512x64xf32>
    %slice3A_26 = vector.extract_strided_slice %get3A_4 {offsets = [0, 64], sizes = [2048, 64], strides = [1, 1]} : vector<2048x128xf32> to vector<2048x64xf32>
    %slice3A_27 = vector.extract_strided_slice %get3A_7 {offsets = [0, 64], sizes = [2048, 64], strides = [1, 1]} : vector<2048x128xf32> to vector<2048x64xf32>
    %dot_general3A_28 = arith.constant dense<0.000000e+00> : vector<512x2048xf32>
    %dot_general3A_29 = tpu.matmul %slice3A_25, %slice3A_26, %dot_general3A_28 {dimension_numbers = #tpu.dot_dimension_numbers<[1], [1], [0], [0], [0, 0, 1, 0], [], []>, transpose_lhs_hint = false} : vector<512x64xf32>, vector<2048x64xf32>, vector<512x2048xf32> -> vector<512x2048xf32>
    %mul3A_30 = arith.constant 3.125000e-02 : f32
    %mul3A_31 = vector.broadcast %mul3A_30 : f32 to vector<512x2048xf32>
    %mul3A_32 = arith.mulf %dot_general3A_29, %mul3A_31 : vector<512x2048xf32>
    %jit3A_33 = arith.constant -1.000000e+30 : f32
    %broadcast_in_dim3A_34 = vector.broadcast %jit3A_33 : f32 to vector<512x2048xf32>
    %select_n3A_35 = arith.select %le3A, %mul3A_32, %broadcast_in_dim3A_34 : vector<512x2048xi1>, vector<512x2048xf32>
    %reduce_max3A_36 = arith.constant dense<0xFF800000> : vector<512xf32>
    %reduce_max3A_37 = vector.multi_reduction <maximumf>, %select_n3A_35, %reduce_max3A_36 [1] : vector<512x2048xf32> to vector<512xf32>
    %broadcast_in_dim3A_38 = vector.shape_cast %reduce_max3A_37 : vector<512xf32> to vector<512x1xf32>
    %sub3A_39 = vector.broadcast %broadcast_in_dim3A_38 : vector<512x1xf32> to vector<512x2048xf32>
    %sub3A_40 = arith.subf %select_n3A_35, %sub3A_39 : vector<512x2048xf32>
    %exp3A_41 = math.exp %sub3A_40 : vector<512x2048xf32>
    %reduce_sum3A_42 = arith.constant dense<0.000000e+00> : vector<512xf32>
    %reduce_sum3A_43 = vector.multi_reduction <add>, %exp3A_41, %reduce_sum3A_42 [1] : vector<512x2048xf32> to vector<512xf32>
    %broadcast_in_dim3A_44 = vector.shape_cast %reduce_sum3A_43 : vector<512xf32> to vector<512x1xf32>
    %dot_general3A_45 = arith.constant dense<0.000000e+00> : vector<512x64xf32>
    %dot_general3A_46 = tpu.matmul %exp3A_41, %slice3A_27, %dot_general3A_45 {dimension_numbers = #tpu.dot_dimension_numbers<[1], [0], [0], [1], [0, 0, 1, 1], [], []>, transpose_lhs_hint = false} : vector<512x2048xf32>, vector<2048x64xf32>, vector<512x64xf32> -> vector<512x64xf32>
    %div3A_47 = vector.broadcast %broadcast_in_dim3A_44 : vector<512x1xf32> to vector<512x64xf32>
    %div3A_48 = arith.divf %dot_general3A_46, %div3A_47 : vector<512x64xf32>
    %concatenate3A = tpu.concatenate %div3A_24, %div3A_48 in 1 : vector<512x64xf32>, vector<512x64xf32> -> vector<512x128xf32>
    %swap3A = arith.constant 0 : index
    %swap3A_49 = arith.constant 0 : index
    %swap3A_50 = vector.load %arg5[%swap3A, %swap3A_49] : memref<512x128xf32, #tpu.memory_space<vmem>>, vector<512x128xf32>
    tpu.vector_store %arg5[%swap3A, %swap3A_49], %concatenate3A {strides = array<i32>} : memref<512x128xf32, #tpu.memory_space<vmem>>, vector<512x128xf32>,
    return
  }
  func.func @transform_0(%arg0: i32, %arg1: i32) -> (i32, i32) {
    %c0_i32 = arith.constant 0 : i32
    return %arg1, %arg0 : i32, i32
  }
  func.func @transform_1(%arg0: i32, %arg1: i32) -> (i32, i32) {
    %c0_i32 = arith.constant 0 : i32
    %c0_i32_0 = arith.constant 0 : i32
    return %c0_i32, %arg0 : i32, i32
  }
  func.func @transform_2(%arg0: i32, %arg1: i32) -> (i32, i32) {
    %c0_i32 = arith.constant 0 : i32
    %c0_i32_0 = arith.constant 0 : i32
    return %c0_i32, %arg0 : i32, i32
  }
  func.func @transform_3(%arg0: i32, %arg1: i32) -> (i32, i32) {
    %c0_i32 = arith.constant 0 : i32
    return %arg1, %arg0 : i32, i32
  }
}

module attributes {stable_mosaic.version = 14 : i64} {
  func.func @_qkv_body(%arg0: i32, %arg1: memref<256x1024xf32, #tpu.memory_space<vmem>>, %arg2: memref<256x1024xf32, #tpu.memory_space<vmem>>, %arg3: memref<256x1024xf32, #tpu.memory_space<vmem>>, %arg4: memref<1x1024xf32, #tpu.memory_space<vmem>>, %arg5: memref<1x1024xf32, #tpu.memory_space<vmem>>, %arg6: memref<1024x1024xf32, #tpu.memory_space<vmem>>, %arg7: memref<1024x1024xf32, #tpu.memory_space<vmem>>, %arg8: memref<1024x1024xf32, #tpu.memory_space<vmem>>, %arg9: memref<256x1024xf32, #tpu.memory_space<vmem>>, %arg10: memref<256x1024xf32, #tpu.memory_space<vmem>>, %arg11: memref<256x1024xf32, #tpu.memory_space<vmem>>) attributes {dimension_semantics = [#tpu.dimension_semantics<arbitrary>], iteration_bounds = array<i64: 8>, scalar_prefetch = 0 : i64, scratch_operands = 0 : i64, tpu.core_type = #tpu.core_type<tc>, window_params = [{transform_indices = @transform_0, window_bounds = array<i64: 256, 1024>}, {transform_indices = @transform_1, window_bounds = array<i64: 256, 1024>}, {transform_indices = @transform_2, window_bounds = array<i64: 256, 1024>}, {pipeline_mode = #tpu.pipeline_mode<synchronous>, transform_indices = @transform_3, window_bounds = array<i64: 1, 1024>}, {pipeline_mode = #tpu.pipeline_mode<synchronous>, transform_indices = @transform_4, window_bounds = array<i64: 1, 1024>}, {pipeline_mode = #tpu.pipeline_mode<synchronous>, transform_indices = @transform_5, window_bounds = array<i64: 1024, 1024>}, {pipeline_mode = #tpu.pipeline_mode<synchronous>, transform_indices = @transform_6, window_bounds = array<i64: 1024, 1024>}, {pipeline_mode = #tpu.pipeline_mode<synchronous>, transform_indices = @transform_7, window_bounds = array<i64: 1024, 1024>}, {transform_indices = @transform_8, window_bounds = array<i64: 256, 1024>}, {transform_indices = @transform_9, window_bounds = array<i64: 256, 1024>}, {transform_indices = @transform_10, window_bounds = array<i64: 256, 1024>}]} {
    %get3A = arith.constant 0 : index
    %get3A_0 = arith.constant 0 : index
    %get3A_1 = vector.load %arg1[%get3A, %get3A_0] : memref<256x1024xf32, #tpu.memory_space<vmem>>, vector<256x1024xf32>
    %get3A_2 = arith.constant 0 : index
    %get3A_3 = arith.constant 0 : index
    %get3A_4 = vector.load %arg2[%get3A_2, %get3A_3] : memref<256x1024xf32, #tpu.memory_space<vmem>>, vector<256x1024xf32>
    %add3A = arith.addf %get3A_1, %get3A_4 : vector<256x1024xf32>
    %get3A_5 = arith.constant 0 : index
    %get3A_6 = arith.constant 0 : index
    %get3A_7 = vector.load %arg3[%get3A_5, %get3A_6] : memref<256x1024xf32, #tpu.memory_space<vmem>>, vector<256x1024xf32>
    %add3A_8 = arith.addf %add3A, %get3A_7 : vector<256x1024xf32>
    %get3A_9 = arith.constant 0 : index
    %get3A_10 = arith.constant 0 : index
    %get3A_11 = vector.load %arg4[%get3A_9, %get3A_10] : memref<1x1024xf32, #tpu.memory_space<vmem>>, vector<1x1024xf32>
    %get3A_12 = arith.constant 0 : index
    %get3A_13 = arith.constant 0 : index
    %get3A_14 = vector.load %arg5[%get3A_12, %get3A_13] : memref<1x1024xf32, #tpu.memory_space<vmem>>, vector<1x1024xf32>
    %reduce_sum3A = arith.constant dense<0.000000e+00> : vector<256xf32>
    %reduce_sum3A_15 = vector.multi_reduction <add>, %add3A_8, %reduce_sum3A [1] : vector<256x1024xf32> to vector<256xf32>
    %broadcast_in_dim3A = vector.shape_cast %reduce_sum3A_15 : vector<256xf32> to vector<256x1xf32>
    %div3A = arith.constant 1.024000e+03 : f32
    %div3A_16 = vector.broadcast %div3A : f32 to vector<256x1xf32>
    %div3A_17 = arith.divf %broadcast_in_dim3A, %div3A_16 : vector<256x1xf32>
    %sub3A = vector.broadcast %div3A_17 : vector<256x1xf32> to vector<256x1024xf32>
    %sub3A_18 = arith.subf %add3A_8, %sub3A : vector<256x1024xf32>
    %integer_pow3A = arith.mulf %sub3A_18, %sub3A_18 : vector<256x1024xf32>
    %reduce_sum3A_19 = arith.constant dense<0.000000e+00> : vector<256xf32>
    %reduce_sum3A_20 = vector.multi_reduction <add>, %integer_pow3A, %reduce_sum3A_19 [1] : vector<256x1024xf32> to vector<256xf32>
    %broadcast_in_dim3A_21 = vector.shape_cast %reduce_sum3A_20 : vector<256xf32> to vector<256x1xf32>
    %div3A_22 = arith.constant 1.024000e+03 : f32
    %div3A_23 = vector.broadcast %div3A_22 : f32 to vector<256x1xf32>
    %div3A_24 = arith.divf %broadcast_in_dim3A_21, %div3A_23 : vector<256x1xf32>
    %sub3A_25 = vector.broadcast %div3A_17 : vector<256x1xf32> to vector<256x1024xf32>
    %sub3A_26 = arith.subf %add3A_8, %sub3A_25 : vector<256x1024xf32>
    %add3A_27 = arith.constant 9.99999974E-6 : f32
    %add3A_28 = vector.broadcast %add3A_27 : f32 to vector<256x1xf32>
    %add3A_29 = arith.addf %div3A_24, %add3A_28 : vector<256x1xf32>
    %rsqrt3A = math.rsqrt %add3A_29 : vector<256x1xf32>
    %mul3A = vector.broadcast %rsqrt3A : vector<256x1xf32> to vector<256x1024xf32>
    %mul3A_30 = arith.mulf %sub3A_26, %mul3A : vector<256x1024xf32>
    %mul3A_31 = vector.broadcast %get3A_11 : vector<1x1024xf32> to vector<256x1024xf32>
    %mul3A_32 = arith.mulf %mul3A_30, %mul3A_31 : vector<256x1024xf32>
    %add3A_33 = vector.broadcast %get3A_14 : vector<1x1024xf32> to vector<256x1024xf32>
    %add3A_34 = arith.addf %mul3A_32, %add3A_33 : vector<256x1024xf32>
    %get3A_35 = arith.constant 0 : index
    %get3A_36 = arith.constant 0 : index
    %get3A_37 = vector.load %arg6[%get3A_35, %get3A_36] : memref<1024x1024xf32, #tpu.memory_space<vmem>>, vector<1024x1024xf32>
    %dot_general3A = arith.constant dense<0.000000e+00> : vector<256x1024xf32>
    %dot_general3A_38 = tpu.matmul %add3A_34, %get3A_37, %dot_general3A {dimension_numbers = #tpu.dot_dimension_numbers<[1], [1], [0], [0], [0, 0, 1, 0], [], []>, transpose_lhs_hint = false} : vector<256x1024xf32>, vector<1024x1024xf32>, vector<256x1024xf32> -> vector<256x1024xf32>
    %swap3A = arith.constant 0 : index
    %swap3A_39 = arith.constant 0 : index
    %swap3A_40 = vector.load %arg9[%swap3A, %swap3A_39] : memref<256x1024xf32, #tpu.memory_space<vmem>>, vector<256x1024xf32>
    tpu.vector_store %arg9[%swap3A, %swap3A_39], %dot_general3A_38 {strides = array<i32>} : memref<256x1024xf32, #tpu.memory_space<vmem>>, vector<256x1024xf32>,
    %get3A_41 = arith.constant 0 : index
    %get3A_42 = arith.constant 0 : index
    %get3A_43 = vector.load %arg7[%get3A_41, %get3A_42] : memref<1024x1024xf32, #tpu.memory_space<vmem>>, vector<1024x1024xf32>
    %dot_general3A_44 = arith.constant dense<0.000000e+00> : vector<256x1024xf32>
    %dot_general3A_45 = tpu.matmul %add3A_34, %get3A_43, %dot_general3A_44 {dimension_numbers = #tpu.dot_dimension_numbers<[1], [1], [0], [0], [0, 0, 1, 0], [], []>, transpose_lhs_hint = false} : vector<256x1024xf32>, vector<1024x1024xf32>, vector<256x1024xf32> -> vector<256x1024xf32>
    %swap3A_46 = arith.constant 0 : index
    %swap3A_47 = arith.constant 0 : index
    %swap3A_48 = vector.load %arg10[%swap3A_46, %swap3A_47] : memref<256x1024xf32, #tpu.memory_space<vmem>>, vector<256x1024xf32>
    tpu.vector_store %arg10[%swap3A_46, %swap3A_47], %dot_general3A_45 {strides = array<i32>} : memref<256x1024xf32, #tpu.memory_space<vmem>>, vector<256x1024xf32>,
    %get3A_49 = arith.constant 0 : index
    %get3A_50 = arith.constant 0 : index
    %get3A_51 = vector.load %arg8[%get3A_49, %get3A_50] : memref<1024x1024xf32, #tpu.memory_space<vmem>>, vector<1024x1024xf32>
    %dot_general3A_52 = arith.constant dense<0.000000e+00> : vector<256x1024xf32>
    %dot_general3A_53 = tpu.matmul %add3A_34, %get3A_51, %dot_general3A_52 {dimension_numbers = #tpu.dot_dimension_numbers<[1], [1], [0], [0], [0, 0, 1, 0], [], []>, transpose_lhs_hint = false} : vector<256x1024xf32>, vector<1024x1024xf32>, vector<256x1024xf32> -> vector<256x1024xf32>
    %swap3A_54 = arith.constant 0 : index
    %swap3A_55 = arith.constant 0 : index
    %swap3A_56 = vector.load %arg11[%swap3A_54, %swap3A_55] : memref<256x1024xf32, #tpu.memory_space<vmem>>, vector<256x1024xf32>
    tpu.vector_store %arg11[%swap3A_54, %swap3A_55], %dot_general3A_53 {strides = array<i32>} : memref<256x1024xf32, #tpu.memory_space<vmem>>, vector<256x1024xf32>,
    return
  }
  func.func @transform_0(%arg0: i32) -> (i32, i32) {
    %c0_i32 = arith.constant 0 : i32
    %c0_i32_0 = arith.constant 0 : i32
    return %arg0, %c0_i32 : i32, i32
  }
  func.func @transform_1(%arg0: i32) -> (i32, i32) {
    %c0_i32 = arith.constant 0 : i32
    %c0_i32_0 = arith.constant 0 : i32
    return %arg0, %c0_i32 : i32, i32
  }
  func.func @transform_2(%arg0: i32) -> (i32, i32) {
    %c0_i32 = arith.constant 0 : i32
    %c0_i32_0 = arith.constant 0 : i32
    return %arg0, %c0_i32 : i32, i32
  }
  func.func @transform_3(%arg0: i32) -> (i32, i32) {
    %c0_i32 = arith.constant 0 : i32
    %c0_i32_0 = arith.constant 0 : i32
    %c0_i32_1 = arith.constant 0 : i32
    return %c0_i32, %c0_i32_0 : i32, i32
  }
  func.func @transform_4(%arg0: i32) -> (i32, i32) {
    %c0_i32 = arith.constant 0 : i32
    %c0_i32_0 = arith.constant 0 : i32
    %c0_i32_1 = arith.constant 0 : i32
    return %c0_i32, %c0_i32_0 : i32, i32
  }
  func.func @transform_5(%arg0: i32) -> (i32, i32) {
    %c0_i32 = arith.constant 0 : i32
    %c0_i32_0 = arith.constant 0 : i32
    %c0_i32_1 = arith.constant 0 : i32
    return %c0_i32, %c0_i32_0 : i32, i32
  }
  func.func @transform_6(%arg0: i32) -> (i32, i32) {
    %c0_i32 = arith.constant 0 : i32
    %c0_i32_0 = arith.constant 0 : i32
    %c0_i32_1 = arith.constant 0 : i32
    return %c0_i32, %c0_i32_0 : i32, i32
  }
  func.func @transform_7(%arg0: i32) -> (i32, i32) {
    %c0_i32 = arith.constant 0 : i32
    %c0_i32_0 = arith.constant 0 : i32
    %c0_i32_1 = arith.constant 0 : i32
    return %c0_i32, %c0_i32_0 : i32, i32
  }
  func.func @transform_8(%arg0: i32) -> (i32, i32) {
    %c0_i32 = arith.constant 0 : i32
    %c0_i32_0 = arith.constant 0 : i32
    return %arg0, %c0_i32 : i32, i32
  }
  func.func @transform_9(%arg0: i32) -> (i32, i32) {
    %c0_i32 = arith.constant 0 : i32
    %c0_i32_0 = arith.constant 0 : i32
    return %arg0, %c0_i32 : i32, i32
  }
  func.func @transform_10(%arg0: i32) -> (i32, i32) {
    %c0_i32 = arith.constant 0 : i32
    %c0_i32_0 = arith.constant 0 : i32
    return %arg0, %c0_i32 : i32, i32
  }
}

module attributes {stable_mosaic.version = 14 : i64} {
  func.func @_proj_body(%arg0: i32, %arg1: memref<256x1024xf32, #tpu.memory_space<vmem>>, %arg2: memref<256x1024xf32, #tpu.memory_space<vmem>>, %arg3: memref<1024x1024xf32, #tpu.memory_space<vmem>>, %arg4: memref<1x1024xf32, #tpu.memory_space<vmem>>, %arg5: memref<1x1024xf32, #tpu.memory_space<vmem>>, %arg6: memref<1x1024xf32, #tpu.memory_space<vmem>>, %arg7: memref<128x1024xf32, #tpu.memory_space<vmem>>, %arg8: memref<256x1024xf32, #tpu.memory_space<vmem>>, %arg9: memref<256x128xf32, #tpu.memory_space<vmem>>) attributes {dimension_semantics = [#tpu.dimension_semantics<arbitrary>], iteration_bounds = array<i64: 8>, scalar_prefetch = 0 : i64, scratch_operands = 0 : i64, tpu.core_type = #tpu.core_type<tc>, window_params = [{transform_indices = @transform_0, window_bounds = array<i64: 256, 1024>}, {transform_indices = @transform_1, window_bounds = array<i64: 256, 1024>}, {pipeline_mode = #tpu.pipeline_mode<synchronous>, transform_indices = @transform_2, window_bounds = array<i64: 1024, 1024>}, {pipeline_mode = #tpu.pipeline_mode<synchronous>, transform_indices = @transform_3, window_bounds = array<i64: 1, 1024>}, {pipeline_mode = #tpu.pipeline_mode<synchronous>, transform_indices = @transform_4, window_bounds = array<i64: 1, 1024>}, {pipeline_mode = #tpu.pipeline_mode<synchronous>, transform_indices = @transform_5, window_bounds = array<i64: 1, 1024>}, {pipeline_mode = #tpu.pipeline_mode<synchronous>, transform_indices = @transform_6, window_bounds = array<i64: 128, 1024>}, {transform_indices = @transform_7, window_bounds = array<i64: 256, 1024>}, {transform_indices = @transform_8, window_bounds = array<i64: 256, 128>}]} {
    %get3A = arith.constant 0 : index
    %get3A_0 = arith.constant 0 : index
    %get3A_1 = vector.load %arg1[%get3A, %get3A_0] : memref<256x1024xf32, #tpu.memory_space<vmem>>, vector<256x1024xf32>
    %get3A_2 = arith.constant 0 : index
    %get3A_3 = arith.constant 0 : index
    %get3A_4 = vector.load %arg2[%get3A_2, %get3A_3] : memref<256x1024xf32, #tpu.memory_space<vmem>>, vector<256x1024xf32>
    %get3A_5 = arith.constant 0 : index
    %get3A_6 = arith.constant 0 : index
    %get3A_7 = vector.load %arg3[%get3A_5, %get3A_6] : memref<1024x1024xf32, #tpu.memory_space<vmem>>, vector<1024x1024xf32>
    %dot_general3A = arith.constant dense<0.000000e+00> : vector<256x1024xf32>
    %dot_general3A_8 = tpu.matmul %get3A_4, %get3A_7, %dot_general3A {dimension_numbers = #tpu.dot_dimension_numbers<[1], [0], [0], [1], [0, 0, 1, 1], [], []>, transpose_lhs_hint = false} : vector<256x1024xf32>, vector<1024x1024xf32>, vector<256x1024xf32> -> vector<256x1024xf32>
    %add3A = arith.addf %get3A_1, %dot_general3A_8 : vector<256x1024xf32>
    %get3A_9 = arith.constant 0 : index
    %get3A_10 = arith.constant 0 : index
    %get3A_11 = vector.load %arg4[%get3A_9, %get3A_10] : memref<1x1024xf32, #tpu.memory_space<vmem>>, vector<1x1024xf32>
    %add3A_12 = vector.broadcast %get3A_11 : vector<1x1024xf32> to vector<256x1024xf32>
    %add3A_13 = arith.addf %add3A, %add3A_12 : vector<256x1024xf32>
    %swap3A = arith.constant 0 : index
    %swap3A_14 = arith.constant 0 : index
    %swap3A_15 = vector.load %arg8[%swap3A, %swap3A_14] : memref<256x1024xf32, #tpu.memory_space<vmem>>, vector<256x1024xf32>
    tpu.vector_store %arg8[%swap3A, %swap3A_14], %add3A_13 {strides = array<i32>} : memref<256x1024xf32, #tpu.memory_space<vmem>>, vector<256x1024xf32>,
    %get3A_16 = arith.constant 0 : index
    %get3A_17 = arith.constant 0 : index
    %get3A_18 = vector.load %arg5[%get3A_16, %get3A_17] : memref<1x1024xf32, #tpu.memory_space<vmem>>, vector<1x1024xf32>
    %get3A_19 = arith.constant 0 : index
    %get3A_20 = arith.constant 0 : index
    %get3A_21 = vector.load %arg6[%get3A_19, %get3A_20] : memref<1x1024xf32, #tpu.memory_space<vmem>>, vector<1x1024xf32>
    %reduce_sum3A = arith.constant dense<0.000000e+00> : vector<256xf32>
    %reduce_sum3A_22 = vector.multi_reduction <add>, %add3A_13, %reduce_sum3A [1] : vector<256x1024xf32> to vector<256xf32>
    %broadcast_in_dim3A = vector.shape_cast %reduce_sum3A_22 : vector<256xf32> to vector<256x1xf32>
    %div3A = arith.constant 1.024000e+03 : f32
    %div3A_23 = vector.broadcast %div3A : f32 to vector<256x1xf32>
    %div3A_24 = arith.divf %broadcast_in_dim3A, %div3A_23 : vector<256x1xf32>
    %sub3A = vector.broadcast %div3A_24 : vector<256x1xf32> to vector<256x1024xf32>
    %sub3A_25 = arith.subf %add3A_13, %sub3A : vector<256x1024xf32>
    %integer_pow3A = arith.mulf %sub3A_25, %sub3A_25 : vector<256x1024xf32>
    %reduce_sum3A_26 = arith.constant dense<0.000000e+00> : vector<256xf32>
    %reduce_sum3A_27 = vector.multi_reduction <add>, %integer_pow3A, %reduce_sum3A_26 [1] : vector<256x1024xf32> to vector<256xf32>
    %broadcast_in_dim3A_28 = vector.shape_cast %reduce_sum3A_27 : vector<256xf32> to vector<256x1xf32>
    %div3A_29 = arith.constant 1.024000e+03 : f32
    %div3A_30 = vector.broadcast %div3A_29 : f32 to vector<256x1xf32>
    %div3A_31 = arith.divf %broadcast_in_dim3A_28, %div3A_30 : vector<256x1xf32>
    %sub3A_32 = vector.broadcast %div3A_24 : vector<256x1xf32> to vector<256x1024xf32>
    %sub3A_33 = arith.subf %add3A_13, %sub3A_32 : vector<256x1024xf32>
    %add3A_34 = arith.constant 9.99999974E-6 : f32
    %add3A_35 = vector.broadcast %add3A_34 : f32 to vector<256x1xf32>
    %add3A_36 = arith.addf %div3A_31, %add3A_35 : vector<256x1xf32>
    %rsqrt3A = math.rsqrt %add3A_36 : vector<256x1xf32>
    %mul3A = vector.broadcast %rsqrt3A : vector<256x1xf32> to vector<256x1024xf32>
    %mul3A_37 = arith.mulf %sub3A_33, %mul3A : vector<256x1024xf32>
    %mul3A_38 = vector.broadcast %get3A_18 : vector<1x1024xf32> to vector<256x1024xf32>
    %mul3A_39 = arith.mulf %mul3A_37, %mul3A_38 : vector<256x1024xf32>
    %add3A_40 = vector.broadcast %get3A_21 : vector<1x1024xf32> to vector<256x1024xf32>
    %add3A_41 = arith.addf %mul3A_39, %add3A_40 : vector<256x1024xf32>
    %get3A_42 = arith.constant 0 : index
    %get3A_43 = arith.constant 0 : index
    %get3A_44 = vector.load %arg7[%get3A_42, %get3A_43] : memref<128x1024xf32, #tpu.memory_space<vmem>>, vector<128x1024xf32>
    %dot_general3A_45 = arith.constant dense<0.000000e+00> : vector<256x128xf32>
    %dot_general3A_46 = tpu.matmul %add3A_41, %get3A_44, %dot_general3A_45 {dimension_numbers = #tpu.dot_dimension_numbers<[1], [1], [0], [0], [0, 0, 1, 0], [], []>, transpose_lhs_hint = false} : vector<256x1024xf32>, vector<128x1024xf32>, vector<256x128xf32> -> vector<256x128xf32>
    %swap3A_47 = arith.constant 0 : index
    %swap3A_48 = arith.constant 0 : index
    %swap3A_49 = vector.load %arg9[%swap3A_47, %swap3A_48] : memref<256x128xf32, #tpu.memory_space<vmem>>, vector<256x128xf32>
    tpu.vector_store %arg9[%swap3A_47, %swap3A_48], %dot_general3A_46 {strides = array<i32>} : memref<256x128xf32, #tpu.memory_space<vmem>>, vector<256x128xf32>,
    return
  }
  func.func @transform_0(%arg0: i32) -> (i32, i32) {
    %c0_i32 = arith.constant 0 : i32
    %c0_i32_0 = arith.constant 0 : i32
    return %arg0, %c0_i32 : i32, i32
  }
  func.func @transform_1(%arg0: i32) -> (i32, i32) {
    %c0_i32 = arith.constant 0 : i32
    %c0_i32_0 = arith.constant 0 : i32
    return %arg0, %c0_i32 : i32, i32
  }
  func.func @transform_2(%arg0: i32) -> (i32, i32) {
    %c0_i32 = arith.constant 0 : i32
    %c0_i32_0 = arith.constant 0 : i32
    %c0_i32_1 = arith.constant 0 : i32
    return %c0_i32, %c0_i32_0 : i32, i32
  }
  func.func @transform_3(%arg0: i32) -> (i32, i32) {
    %c0_i32 = arith.constant 0 : i32
    %c0_i32_0 = arith.constant 0 : i32
    %c0_i32_1 = arith.constant 0 : i32
    return %c0_i32, %c0_i32_0 : i32, i32
  }
  func.func @transform_4(%arg0: i32) -> (i32, i32) {
    %c0_i32 = arith.constant 0 : i32
    %c0_i32_0 = arith.constant 0 : i32
    %c0_i32_1 = arith.constant 0 : i32
    return %c0_i32, %c0_i32_0 : i32, i32
  }
  func.func @transform_5(%arg0: i32) -> (i32, i32) {
    %c0_i32 = arith.constant 0 : i32
    %c0_i32_0 = arith.constant 0 : i32
    %c0_i32_1 = arith.constant 0 : i32
    return %c0_i32, %c0_i32_0 : i32, i32
  }
  func.func @transform_6(%arg0: i32) -> (i32, i32) {
    %c0_i32 = arith.constant 0 : i32
    %c0_i32_0 = arith.constant 0 : i32
    %c0_i32_1 = arith.constant 0 : i32
    return %c0_i32, %c0_i32_0 : i32, i32
  }
  func.func @transform_7(%arg0: i32) -> (i32, i32) {
    %c0_i32 = arith.constant 0 : i32
    %c0_i32_0 = arith.constant 0 : i32
    return %arg0, %c0_i32 : i32, i32
  }
  func.func @transform_8(%arg0: i32) -> (i32, i32) {
    %c0_i32 = arith.constant 0 : i32
    %c0_i32_0 = arith.constant 0 : i32
    return %arg0, %c0_i32 : i32, i32
  }
}

module attributes {stable_mosaic.version = 14 : i64} {
  func.func @_route_body(%arg0: i32, %arg1: memref<2048x128xf32, #tpu.memory_space<vmem>>, %arg2: memref<2048x128xi32, #tpu.memory_space<vmem>>, %arg3: memref<1x128xi32, #tpu.memory_space<vmem>>) attributes {dimension_semantics = [#tpu.dimension_semantics<arbitrary>], iteration_bounds = array<i64: 1>, scalar_prefetch = 0 : i64, scratch_operands = 0 : i64, tpu.core_type = #tpu.core_type<tc>, window_params = [{pipeline_mode = #tpu.pipeline_mode<synchronous>, transform_indices = @transform_0, window_bounds = array<i64: 2048, 128>}, {pipeline_mode = #tpu.pipeline_mode<synchronous>, transform_indices = @transform_1, window_bounds = array<i64: 2048, 128>}, {pipeline_mode = #tpu.pipeline_mode<synchronous>, transform_indices = @transform_2, window_bounds = array<i64: 1, 128>}]} {
    %get3A = arith.constant 0 : index
    %get3A_0 = arith.constant 0 : index
    %get3A_1 = vector.load %arg1[%get3A, %get3A_0] : memref<2048x128xf32, #tpu.memory_space<vmem>>, vector<2048x128xf32>
    %iota3A = tpu.iota {dimensions = array<i32: 1>} : vector<2048x128xi32>
    %lt3A = arith.constant 8 : i32
    %lt3A_2 = vector.broadcast %lt3A : i32 to vector<2048x128xi32>
    %lt3A_3 = arith.cmpi slt, %iota3A, %lt3A_2 : vector<2048x128xi32>
    %jit3A = arith.constant -1.000000e+30 : f32
    %broadcast_in_dim3A = vector.broadcast %jit3A : f32 to vector<2048x128xf32>
    %select_n3A = arith.select %lt3A_3, %get3A_1, %broadcast_in_dim3A : vector<2048x128xi1>, vector<2048x128xf32>
    %reduce_max3A = arith.constant dense<0xFF800000> : vector<2048xf32>
    %reduce_max3A_4 = vector.multi_reduction <maximumf>, %select_n3A, %reduce_max3A [1] : vector<2048x128xf32> to vector<2048xf32>
    %broadcast_in_dim3A_5 = vector.shape_cast %reduce_max3A_4 : vector<2048xf32> to vector<2048x1xf32>
    %eq3A = vector.broadcast %broadcast_in_dim3A_5 : vector<2048x1xf32> to vector<2048x128xf32>
    %eq3A_6 = arith.cmpf oeq, %select_n3A, %eq3A : vector<2048x128xf32>
    %jit3A_7 = arith.constant 128 : i32
    %broadcast_in_dim3A_8 = vector.broadcast %jit3A_7 : i32 to vector<2048x128xi32>
    %select_n3A_9 = arith.select %eq3A_6, %iota3A, %broadcast_in_dim3A_8 : vector<2048x128xi1>, vector<2048x128xi32>
    %reduce_min3A = arith.constant dense<2147483647> : vector<2048xi32>
    %reduce_min3A_10 = vector.multi_reduction <minsi>, %select_n3A_9, %reduce_min3A [1] : vector<2048x128xi32> to vector<2048xi32>
    %broadcast_in_dim3A_11 = vector.shape_cast %reduce_min3A_10 : vector<2048xi32> to vector<2048x1xi32>
    %eq3A_12 = vector.broadcast %broadcast_in_dim3A_11 : vector<2048x1xi32> to vector<2048x128xi32>
    %eq3A_13 = arith.cmpi eq, %iota3A, %eq3A_12 : vector<2048x128xi32>
    %convert_element_type3A = arith.extui %eq3A_13 : vector<2048x128xi1> to vector<2048x128xi32>
    %convert_element_type3A_14 = arith.sitofp %convert_element_type3A : vector<2048x128xi32> to vector<2048x128xf32>
    %iota3A_15 = tpu.iota {dimensions = array<i32: 0>} : vector<2048x2048xi32>
    %iota3A_16 = tpu.iota {dimensions = array<i32: 1>} : vector<2048x2048xi32>
    %lt3A_17 = arith.cmpi slt, %iota3A_16, %iota3A_15 : vector<2048x2048xi32>
    %convert_element_type3A_18 = arith.extui %lt3A_17 : vector<2048x2048xi1> to vector<2048x2048xi32>
    %convert_element_type3A_19 = arith.sitofp %convert_element_type3A_18 : vector<2048x2048xi32> to vector<2048x2048xf32>
    %dot_general3A = arith.constant dense<0.000000e+00> : vector<2048x128xf32>
    %dot_general3A_20 = tpu.matmul %convert_element_type3A_19, %convert_element_type3A_14, %dot_general3A {dimension_numbers = #tpu.dot_dimension_numbers<[1], [0], [0], [1], [0, 0, 1, 1], [], []>, precision = #tpu.contract_precision<fp32>, transpose_lhs_hint = false} : vector<2048x2048xf32>, vector<2048x128xf32>, vector<2048x128xf32> -> vector<2048x128xf32>
    %mul3A = arith.mulf %convert_element_type3A_14, %dot_general3A_20 : vector<2048x128xf32>
    %reduce_sum3A = arith.constant dense<0.000000e+00> : vector<2048xf32>
    %reduce_sum3A_21 = vector.multi_reduction <add>, %mul3A, %reduce_sum3A [1] : vector<2048x128xf32> to vector<2048xf32>
    %broadcast_in_dim3A_22 = vector.shape_cast %reduce_sum3A_21 : vector<2048xf32> to vector<2048x1xf32>
    %reduce_sum3A_23 = arith.constant dense<0.000000e+00> : vector<128xf32>
    %reduce_sum3A_24 = vector.multi_reduction <add>, %convert_element_type3A_14, %reduce_sum3A_23 [0] : vector<2048x128xf32> to vector<128xf32>
    %broadcast_in_dim3A_25 = vector.shape_cast %reduce_sum3A_24 : vector<128xf32> to vector<1x128xf32>
    %iota3A_26 = tpu.iota {dimensions = array<i32: 0>} : vector<128x128xi32>
    %iota3A_27 = tpu.iota {dimensions = array<i32: 1>} : vector<128x128xi32>
    %lt3A_28 = arith.cmpi slt, %iota3A_26, %iota3A_27 : vector<128x128xi32>
    %convert_element_type3A_29 = arith.extui %lt3A_28 : vector<128x128xi1> to vector<128x128xi32>
    %convert_element_type3A_30 = arith.sitofp %convert_element_type3A_29 : vector<128x128xi32> to vector<128x128xf32>
    %dot_general3A_31 = arith.constant dense<0.000000e+00> : vector<1x128xf32>
    %dot_general3A_32 = tpu.matmul %broadcast_in_dim3A_25, %convert_element_type3A_30, %dot_general3A_31 {dimension_numbers = #tpu.dot_dimension_numbers<[1], [0], [0], [1], [0, 0, 1, 1], [], []>, precision = #tpu.contract_precision<fp32>, transpose_lhs_hint = false} : vector<1x128xf32>, vector<128x128xf32>, vector<1x128xf32> -> vector<1x128xf32>
    %mul3A_33 = vector.broadcast %dot_general3A_32 : vector<1x128xf32> to vector<2048x128xf32>
    %mul3A_34 = arith.mulf %convert_element_type3A_14, %mul3A_33 : vector<2048x128xf32>
    %reduce_sum3A_35 = arith.constant dense<0.000000e+00> : vector<2048xf32>
    %reduce_sum3A_36 = vector.multi_reduction <add>, %mul3A_34, %reduce_sum3A_35 [1] : vector<2048x128xf32> to vector<2048xf32>
    %broadcast_in_dim3A_37 = vector.shape_cast %reduce_sum3A_36 : vector<2048xf32> to vector<2048x1xf32>
    %add3A = arith.addf %broadcast_in_dim3A_37, %broadcast_in_dim3A_22 : vector<2048x1xf32>
    %convert_element_type3A_38 = arith.fptosi %add3A : vector<2048x1xf32> to vector<2048x1xi32>
    %broadcast_in_dim3A_39 = vector.shape_cast %convert_element_type3A_38 : vector<2048x1xi32> to vector<2048x1xi32>
    %broadcast_in_dim3A_40 = vector.broadcast %broadcast_in_dim3A_39 : vector<2048x1xi32> to vector<2048x128xi32>
    %swap3A = arith.constant 0 : index
    %swap3A_41 = arith.constant 0 : index
    %swap3A_42 = vector.load %arg2[%swap3A, %swap3A_41] : memref<2048x128xi32, #tpu.memory_space<vmem>>, vector<2048x128xi32>
    tpu.vector_store %arg2[%swap3A, %swap3A_41], %broadcast_in_dim3A_40 {strides = array<i32>} : memref<2048x128xi32, #tpu.memory_space<vmem>>, vector<2048x128xi32>,
    %add3A_43 = arith.addf %dot_general3A_32, %broadcast_in_dim3A_25 : vector<1x128xf32>
    %add3A_44 = arith.constant 8 : i32
    %add3A_45 = vector.broadcast %add3A_44 : i32 to vector<128x128xi32>
    %add3A_46 = arith.addi %iota3A_26, %add3A_45 : vector<128x128xi32>
    %eq3A_47 = arith.cmpi eq, %add3A_46, %iota3A_27 : vector<128x128xi32>
    %convert_element_type3A_48 = arith.extui %eq3A_47 : vector<128x128xi1> to vector<128x128xi32>
    %convert_element_type3A_49 = arith.sitofp %convert_element_type3A_48 : vector<128x128xi32> to vector<128x128xf32>
    %dot_general3A_50 = arith.constant dense<0.000000e+00> : vector<1x128xf32>
    %dot_general3A_51 = tpu.matmul %add3A_43, %convert_element_type3A_49, %dot_general3A_50 {dimension_numbers = #tpu.dot_dimension_numbers<[1], [0], [0], [1], [0, 0, 1, 1], [], []>, precision = #tpu.contract_precision<fp32>, transpose_lhs_hint = false} : vector<1x128xf32>, vector<128x128xf32>, vector<1x128xf32> -> vector<1x128xf32>
    %iota3A_52 = tpu.iota {dimensions = array<i32: 1>} : vector<1x128xi32>
    %lt3A_53 = arith.constant 8 : i32
    %lt3A_54 = vector.broadcast %lt3A_53 : i32 to vector<1x128xi32>
    %lt3A_55 = arith.cmpi slt, %iota3A_52, %lt3A_54 : vector<1x128xi32>
    %lt3A_56 = arith.constant 16 : i32
    %lt3A_57 = vector.broadcast %lt3A_56 : i32 to vector<1x128xi32>
    %lt3A_58 = arith.cmpi slt, %iota3A_52, %lt3A_57 : vector<1x128xi32>
    %jit3A_59 = arith.constant 0.000000e+00 : f32
    %broadcast_in_dim3A_60 = vector.broadcast %jit3A_59 : f32 to vector<1x128xf32>
    %select_n3A_61 = arith.select %lt3A_58, %dot_general3A_51, %broadcast_in_dim3A_60 : vector<1x128xi1>, vector<1x128xf32>
    %select_n3A_62 = arith.select %lt3A_55, %dot_general3A_32, %select_n3A_61 : vector<1x128xi1>, vector<1x128xf32>
    %convert_element_type3A_63 = arith.fptosi %select_n3A_62 : vector<1x128xf32> to vector<1x128xi32>
    %swap3A_64 = arith.constant 0 : index
    %swap3A_65 = arith.constant 0 : index
    %swap3A_66 = vector.load %arg3[%swap3A_64, %swap3A_65] : memref<1x128xi32, #tpu.memory_space<vmem>>, vector<1x128xi32>
    tpu.vector_store %arg3[%swap3A_64, %swap3A_65], %convert_element_type3A_63 {strides = array<i32>} : memref<1x128xi32, #tpu.memory_space<vmem>>, vector<1x128xi32>,
    return
  }
  func.func @transform_0(%arg0: i32) -> (i32, i32) {
    %c0_i32 = arith.constant 0 : i32
    %c0_i32_0 = arith.constant 0 : i32
    %c0_i32_1 = arith.constant 0 : i32
    return %c0_i32, %c0_i32_0 : i32, i32
  }
  func.func @transform_1(%arg0: i32) -> (i32, i32) {
    %c0_i32 = arith.constant 0 : i32
    %c0_i32_0 = arith.constant 0 : i32
    %c0_i32_1 = arith.constant 0 : i32
    return %c0_i32, %c0_i32_0 : i32, i32
  }
  func.func @transform_2(%arg0: i32) -> (i32, i32) {
    %c0_i32 = arith.constant 0 : i32
    %c0_i32_0 = arith.constant 0 : i32
    %c0_i32_1 = arith.constant 0 : i32
    return %c0_i32, %c0_i32_0 : i32, i32
  }
}

module attributes {stable_mosaic.version = 14 : i64} {
  func.func @_ffn_body(%arg0: i32, %arg1: i32, %arg2: i32, %arg3: memref<8xi32, #tpu.memory_space<smem>>, %arg4: memref<8xi32, #tpu.memory_space<smem>>, %arg5: memref<2048x1024xf32, #tpu.memory_space<vmem>>, %arg6: memref<1x1024x1024xf32, #tpu.memory_space<vmem>>, %arg7: memref<1x1x1024xf32, #tpu.memory_space<vmem>>, %arg8: memref<1x1024x1024xf32, #tpu.memory_space<vmem>>, %arg9: memref<1x1x1024xf32, #tpu.memory_space<vmem>>, %arg10: memref<1x1024xf32, #tpu.memory_space<vmem>>, %arg11: memref<1x1024xf32, #tpu.memory_space<vmem>>, %arg12: memref<2048x1024xf32, #tpu.memory_space<vmem>>, %arg13: memref<2048x1024xf32, #tpu.memory_space<vmem>>) attributes {dimension_semantics = [#tpu.dimension_semantics<arbitrary>, #tpu.dimension_semantics<arbitrary>, #tpu.dimension_semantics<arbitrary>], iteration_bounds = array<i64: 8, 4, 8>, scalar_prefetch = 2 : i64, scratch_operands = 1 : i64, tpu.core_type = #tpu.core_type<tc>, window_params = [{pipeline_mode = #tpu.pipeline_mode<synchronous>, transform_indices = @transform_0, window_bounds = array<i64: 2048, 1024>}, {transform_indices = @transform_1, window_bounds = array<i64: 1, 1024, 1024>}, {transform_indices = @transform_2, window_bounds = array<i64: 1, 1, 1024>}, {transform_indices = @transform_3, window_bounds = array<i64: 1, 1024, 1024>}, {transform_indices = @transform_4, window_bounds = array<i64: 1, 1, 1024>}, {pipeline_mode = #tpu.pipeline_mode<synchronous>, transform_indices = @transform_5, window_bounds = array<i64: 1, 1024>}, {pipeline_mode = #tpu.pipeline_mode<synchronous>, transform_indices = @transform_6, window_bounds = array<i64: 1, 1024>}, {pipeline_mode = #tpu.pipeline_mode<synchronous>, transform_indices = @transform_7, window_bounds = array<i64: 2048, 1024>}]} {
    %eq3A = arith.constant 0 : i32
    %eq3A_0 = arith.cmpi eq, %arg0, %eq3A : i32
    %eq3A_1 = arith.constant 0 : i32
    %eq3A_2 = arith.cmpi eq, %arg1, %eq3A_1 : i32
    %and3A = arith.andi %eq3A_0, %eq3A_2 : i1
    %eq3A_3 = arith.constant 0 : i32
    %eq3A_4 = arith.cmpi eq, %arg2, %eq3A_3 : i32
    %and3A_5 = arith.andi %and3A, %eq3A_4 : i1
    %convert_element_type3A = arith.extui %and3A_5 : i1 to i32
    %cond3A = arith.constant 0 : i32
    %cond3A_6 = arith.cmpi ne, %convert_element_type3A, %cond3A : i32
    scf.if %cond3A_6 {
      %get3A_84 = arith.constant 0 : index
      %get3A_85 = arith.constant 0 : index
      %get3A_86 = vector.load %arg5[%get3A_84, %get3A_85] : memref<2048x1024xf32, #tpu.memory_space<vmem>>, vector<2048x1024xf32>
      %swap3A = arith.constant 0 : index
      %swap3A_87 = arith.constant 0 : index
      %swap3A_88 = vector.load %arg12[%swap3A, %swap3A_87] : memref<2048x1024xf32, #tpu.memory_space<vmem>>, vector<2048x1024xf32>
      tpu.vector_store %arg12[%swap3A, %swap3A_87], %get3A_86 {strides = array<i32>} : memref<2048x1024xf32, #tpu.memory_space<vmem>>, vector<2048x1024xf32>,
      %get3A_89 = arith.constant 0 : index
      %get3A_90 = arith.constant 0 : index
      %get3A_91 = vector.load %arg10[%get3A_89, %get3A_90] : memref<1x1024xf32, #tpu.memory_space<vmem>>, vector<1x1024xf32>
      %get3A_92 = arith.constant 0 : index
      %get3A_93 = arith.constant 0 : index
      %get3A_94 = vector.load %arg11[%get3A_92, %get3A_93] : memref<1x1024xf32, #tpu.memory_space<vmem>>, vector<1x1024xf32>
      %reduce_sum3A = arith.constant dense<0.000000e+00> : vector<2048xf32>
      %reduce_sum3A_95 = vector.multi_reduction <add>, %get3A_86, %reduce_sum3A [1] : vector<2048x1024xf32> to vector<2048xf32>
      %broadcast_in_dim3A = vector.shape_cast %reduce_sum3A_95 : vector<2048xf32> to vector<2048x1xf32>
      %div3A_96 = arith.constant 1.024000e+03 : f32
      %div3A_97 = vector.broadcast %div3A_96 : f32 to vector<2048x1xf32>
      %div3A_98 = arith.divf %broadcast_in_dim3A, %div3A_97 : vector<2048x1xf32>
      %sub3A_99 = vector.broadcast %div3A_98 : vector<2048x1xf32> to vector<2048x1024xf32>
      %sub3A_100 = arith.subf %get3A_86, %sub3A_99 : vector<2048x1024xf32>
      %integer_pow3A = arith.mulf %sub3A_100, %sub3A_100 : vector<2048x1024xf32>
      %reduce_sum3A_101 = arith.constant dense<0.000000e+00> : vector<2048xf32>
      %reduce_sum3A_102 = vector.multi_reduction <add>, %integer_pow3A, %reduce_sum3A_101 [1] : vector<2048x1024xf32> to vector<2048xf32>
      %broadcast_in_dim3A_103 = vector.shape_cast %reduce_sum3A_102 : vector<2048xf32> to vector<2048x1xf32>
      %div3A_104 = arith.constant 1.024000e+03 : f32
      %div3A_105 = vector.broadcast %div3A_104 : f32 to vector<2048x1xf32>
      %div3A_106 = arith.divf %broadcast_in_dim3A_103, %div3A_105 : vector<2048x1xf32>
      %sub3A_107 = vector.broadcast %div3A_98 : vector<2048x1xf32> to vector<2048x1024xf32>
      %sub3A_108 = arith.subf %get3A_86, %sub3A_107 : vector<2048x1024xf32>
      %add3A_109 = arith.constant 9.99999974E-6 : f32
      %add3A_110 = vector.broadcast %add3A_109 : f32 to vector<2048x1xf32>
      %add3A_111 = arith.addf %div3A_106, %add3A_110 : vector<2048x1xf32>
      %rsqrt3A = math.rsqrt %add3A_111 : vector<2048x1xf32>
      %mul3A_112 = vector.broadcast %rsqrt3A : vector<2048x1xf32> to vector<2048x1024xf32>
      %mul3A_113 = arith.mulf %sub3A_108, %mul3A_112 : vector<2048x1024xf32>
      %mul3A_114 = vector.broadcast %get3A_91 : vector<1x1024xf32> to vector<2048x1024xf32>
      %mul3A_115 = arith.mulf %mul3A_113, %mul3A_114 : vector<2048x1024xf32>
      %add3A_116 = vector.broadcast %get3A_94 : vector<1x1024xf32> to vector<2048x1024xf32>
      %add3A_117 = arith.addf %mul3A_115, %add3A_116 : vector<2048x1024xf32>
      %swap3A_118 = arith.constant 0 : index
      %swap3A_119 = arith.constant 0 : index
      %swap3A_120 = vector.load %arg13[%swap3A_118, %swap3A_119] : memref<2048x1024xf32, #tpu.memory_space<vmem>>, vector<2048x1024xf32>
      tpu.vector_store %arg13[%swap3A_118, %swap3A_119], %add3A_117 {strides = array<i32>} : memref<2048x1024xf32, #tpu.memory_space<vmem>>, vector<2048x1024xf32>,
    } else {
    }
    %get3A = arith.index_cast %arg0 : i32 to index
    %get3A_7 = memref.load %arg3[%get3A] : memref<8xi32, #tpu.memory_space<smem>>
    %get3A_8 = arith.index_cast %arg0 : i32 to index
    %get3A_9 = memref.load %arg4[%get3A_8] : memref<8xi32, #tpu.memory_space<smem>>
    %jit3A = arith.constant 256 : i32
    %div3A = arith.divsi %get3A_7, %jit3A : i32
    %sign3A = arith.constant 0 : i32
    %sign3A_10 = arith.cmpi sgt, %get3A_7, %sign3A : i32
    %sign3A_11 = arith.extui %sign3A_10 : i1 to i32
    %sign3A_12 = arith.constant 0 : i32
    %sign3A_13 = arith.cmpi slt, %get3A_7, %sign3A_12 : i32
    %sign3A_14 = arith.extui %sign3A_13 : i1 to i32
    %sign3A_15 = arith.subi %sign3A_11, %sign3A_14 : i32
    %sign3A_16 = arith.constant 0 : i32
    %sign3A_17 = arith.cmpi sgt, %jit3A, %sign3A_16 : i32
    %sign3A_18 = arith.extui %sign3A_17 : i1 to i32
    %sign3A_19 = arith.constant 0 : i32
    %sign3A_20 = arith.cmpi slt, %jit3A, %sign3A_19 : i32
    %sign3A_21 = arith.extui %sign3A_20 : i1 to i32
    %sign3A_22 = arith.subi %sign3A_18, %sign3A_21 : i32
    %ne3A = arith.cmpi ne, %sign3A_15, %sign3A_22 : i32
    %rem3A = arith.remsi %get3A_7, %jit3A : i32
    %ne3A_23 = arith.constant 0 : i32
    %ne3A_24 = arith.cmpi ne, %rem3A, %ne3A_23 : i32
    %and3A_25 = arith.andi %ne3A, %ne3A_24 : i1
    %sub3A = arith.constant 1 : i32
    %sub3A_26 = arith.subi %div3A, %sub3A : i32
    %select_n3A = arith.select %and3A_25, %sub3A_26, %div3A : i32
    %add3A = arith.addi %select_n3A, %arg2 : i32
    %min3A = arith.constant 7 : i32
    %min3A_27 = arith.minsi %add3A, %min3A : i32
    %mul3A = arith.constant 256 : i32
    %mul3A_28 = arith.muli %min3A_27, %mul3A : i32
    %lt3A = arith.cmpi slt, %get3A_7, %get3A_9 : i32
    %jit3A_29 = arith.constant 256 : i32
    %div3A_30 = arith.divsi %get3A_7, %jit3A_29 : i32
    %sign3A_31 = arith.constant 0 : i32
    %sign3A_32 = arith.cmpi sgt, %get3A_7, %sign3A_31 : i32
    %sign3A_33 = arith.extui %sign3A_32 : i1 to i32
    %sign3A_34 = arith.constant 0 : i32
    %sign3A_35 = arith.cmpi slt, %get3A_7, %sign3A_34 : i32
    %sign3A_36 = arith.extui %sign3A_35 : i1 to i32
    %sign3A_37 = arith.subi %sign3A_33, %sign3A_36 : i32
    %sign3A_38 = arith.constant 0 : i32
    %sign3A_39 = arith.cmpi sgt, %jit3A_29, %sign3A_38 : i32
    %sign3A_40 = arith.extui %sign3A_39 : i1 to i32
    %sign3A_41 = arith.constant 0 : i32
    %sign3A_42 = arith.cmpi slt, %jit3A_29, %sign3A_41 : i32
    %sign3A_43 = arith.extui %sign3A_42 : i1 to i32
    %sign3A_44 = arith.subi %sign3A_40, %sign3A_43 : i32
    %ne3A_45 = arith.cmpi ne, %sign3A_37, %sign3A_44 : i32
    %rem3A_46 = arith.remsi %get3A_7, %jit3A_29 : i32
    %ne3A_47 = arith.constant 0 : i32
    %ne3A_48 = arith.cmpi ne, %rem3A_46, %ne3A_47 : i32
    %and3A_49 = arith.andi %ne3A_45, %ne3A_48 : i1
    %sub3A_50 = arith.constant 1 : i32
    %sub3A_51 = arith.subi %div3A_30, %sub3A_50 : i32
    %select_n3A_52 = arith.select %and3A_49, %sub3A_51, %div3A_30 : i32
    %add3A_53 = arith.addi %select_n3A_52, %arg2 : i32
    %sub3A_54 = arith.constant 1 : i32
    %sub3A_55 = arith.subi %get3A_9, %sub3A_54 : i32
    %jit3A_56 = arith.constant 256 : i32
    %div3A_57 = arith.divsi %sub3A_55, %jit3A_56 : i32
    %sign3A_58 = arith.constant 0 : i32
    %sign3A_59 = arith.cmpi sgt, %sub3A_55, %sign3A_58 : i32
    %sign3A_60 = arith.extui %sign3A_59 : i1 to i32
    %sign3A_61 = arith.constant 0 : i32
    %sign3A_62 = arith.cmpi slt, %sub3A_55, %sign3A_61 : i32
    %sign3A_63 = arith.extui %sign3A_62 : i1 to i32
    %sign3A_64 = arith.subi %sign3A_60, %sign3A_63 : i32
    %sign3A_65 = arith.constant 0 : i32
    %sign3A_66 = arith.cmpi sgt, %jit3A_56, %sign3A_65 : i32
    %sign3A_67 = arith.extui %sign3A_66 : i1 to i32
    %sign3A_68 = arith.constant 0 : i32
    %sign3A_69 = arith.cmpi slt, %jit3A_56, %sign3A_68 : i32
    %sign3A_70 = arith.extui %sign3A_69 : i1 to i32
    %sign3A_71 = arith.subi %sign3A_67, %sign3A_70 : i32
    %ne3A_72 = arith.cmpi ne, %sign3A_64, %sign3A_71 : i32
    %rem3A_73 = arith.remsi %sub3A_55, %jit3A_56 : i32
    %ne3A_74 = arith.constant 0 : i32
    %ne3A_75 = arith.cmpi ne, %rem3A_73, %ne3A_74 : i32
    %and3A_76 = arith.andi %ne3A_72, %ne3A_75 : i1
    %sub3A_77 = arith.constant 1 : i32
    %sub3A_78 = arith.subi %div3A_57, %sub3A_77 : i32
    %select_n3A_79 = arith.select %and3A_76, %sub3A_78, %div3A_57 : i32
    %le3A = arith.cmpi sle, %add3A_53, %select_n3A_79 : i32
    %and3A_80 = arith.andi %lt3A, %le3A : i1
    %convert_element_type3A_81 = arith.extui %and3A_80 : i1 to i32
    %cond3A_82 = arith.constant 0 : i32
    %cond3A_83 = arith.cmpi ne, %convert_element_type3A_81, %cond3A_82 : i32
    scf.if %cond3A_83 {
      %get3A_84 = arith.index_cast %mul3A_28 : i32 to index
      %get3A_85 = arith.constant 0 : index
      %get3A_86 = vector.load %arg13[%get3A_84, %get3A_85] : memref<2048x1024xf32, #tpu.memory_space<vmem>>, vector<256x1024xf32>
      %get3A_87 = arith.constant 0 : index
      %get3A_88 = arith.constant 0 : index
      %get3A_89 = arith.constant 0 : index
      %get3A_90 = vector.load %arg6[%get3A_87, %get3A_88, %get3A_89] : memref<1x1024x1024xf32, #tpu.memory_space<vmem>>, vector<1x1024x1024xf32>
      %get3A_91 = vector.shape_cast %get3A_90 : vector<1x1024x1024xf32> to vector<1024x1024xf32>
      %convert_element_type3A_92 = arith.truncf %get3A_86 : vector<256x1024xf32> to vector<256x1024xbf16>
      %convert_element_type3A_93 = arith.truncf %get3A_91 : vector<1024x1024xf32> to vector<1024x1024xbf16>
      %dot_general3A = arith.constant dense<0.000000e+00> : vector<256x1024xf32>
      %dot_general3A_94 = tpu.matmul %convert_element_type3A_92, %convert_element_type3A_93, %dot_general3A {dimension_numbers = #tpu.dot_dimension_numbers<[1], [1], [0], [0], [0, 0, 1, 0], [], []>, transpose_lhs_hint = false} : vector<256x1024xbf16>, vector<1024x1024xbf16>, vector<256x1024xf32> -> vector<256x1024xf32>
      %get3A_95 = arith.constant 0 : index
      %get3A_96 = arith.constant 0 : index
      %get3A_97 = arith.constant 0 : index
      %get3A_98 = vector.load %arg7[%get3A_95, %get3A_96, %get3A_97] : memref<1x1x1024xf32, #tpu.memory_space<vmem>>, vector<1x1x1024xf32>
      %get3A_99 = vector.shape_cast %get3A_98 : vector<1x1x1024xf32> to vector<1x1024xf32>
      %add3A_100 = vector.broadcast %get3A_99 : vector<1x1024xf32> to vector<256x1024xf32>
      %add3A_101 = arith.addf %dot_general3A_94, %add3A_100 : vector<256x1024xf32>
      %max3A = arith.constant 0.000000e+00 : f32
      %max3A_102 = vector.broadcast %max3A : f32 to vector<256x1024xf32>
      %max3A_103 = arith.maximumf %add3A_101, %max3A_102 : vector<256x1024xf32>
      %get3A_104 = arith.constant 0 : index
      %get3A_105 = arith.constant 0 : index
      %get3A_106 = arith.constant 0 : index
      %get3A_107 = vector.load %arg8[%get3A_104, %get3A_105, %get3A_106] : memref<1x1024x1024xf32, #tpu.memory_space<vmem>>, vector<1x1024x1024xf32>
      %get3A_108 = vector.shape_cast %get3A_107 : vector<1x1024x1024xf32> to vector<1024x1024xf32>
      %convert_element_type3A_109 = arith.truncf %max3A_103 : vector<256x1024xf32> to vector<256x1024xbf16>
      %convert_element_type3A_110 = arith.truncf %get3A_108 : vector<1024x1024xf32> to vector<1024x1024xbf16>
      %dot_general3A_111 = arith.constant dense<0.000000e+00> : vector<256x1024xf32>
      %dot_general3A_112 = tpu.matmul %convert_element_type3A_109, %convert_element_type3A_110, %dot_general3A_111 {dimension_numbers = #tpu.dot_dimension_numbers<[1], [1], [0], [0], [0, 0, 1, 0], [], []>, transpose_lhs_hint = false} : vector<256x1024xbf16>, vector<1024x1024xbf16>, vector<256x1024xf32> -> vector<256x1024xf32>
      %eq3A_113 = arith.constant 0 : i32
      %eq3A_114 = arith.cmpi eq, %arg1, %eq3A_113 : i32
      %jit3A_115 = arith.constant 1.000000e+00 : f32
      %jit3A_116 = arith.constant 0.000000e+00 : f32
      %select_n3A_117 = arith.select %eq3A_114, %jit3A_115, %jit3A_116 : f32
      %get3A_118 = arith.constant 0 : index
      %get3A_119 = arith.constant 0 : index
      %get3A_120 = arith.constant 0 : index
      %get3A_121 = vector.load %arg9[%get3A_118, %get3A_119, %get3A_120] : memref<1x1x1024xf32, #tpu.memory_space<vmem>>, vector<1x1x1024xf32>
      %get3A_122 = vector.shape_cast %get3A_121 : vector<1x1x1024xf32> to vector<1x1024xf32>
      %mul3A_123 = vector.broadcast %select_n3A_117 : f32 to vector<1x1024xf32>
      %mul3A_124 = arith.mulf %mul3A_123, %get3A_122 : vector<1x1024xf32>
      %add3A_125 = vector.broadcast %mul3A_124 : vector<1x1024xf32> to vector<256x1024xf32>
      %add3A_126 = arith.addf %dot_general3A_112, %add3A_125 : vector<256x1024xf32>
      %sub3A_127 = arith.subi %get3A_7, %mul3A_28 : i32
      %max3A_128 = arith.constant 0 : i32
      %max3A_129 = arith.maxsi %sub3A_127, %max3A_128 : i32
      %sub3A_130 = arith.subi %get3A_9, %mul3A_28 : i32
      %min3A_131 = arith.constant 256 : i32
      %min3A_132 = arith.minsi %sub3A_130, %min3A_131 : i32
      %iota3A = tpu.iota {dimensions = array<i32: 0>} : vector<256x1024xi32>
      %ge3A = vector.broadcast %max3A_129 : i32 to vector<256x1024xi32>
      %ge3A_133 = arith.cmpi sge, %iota3A, %ge3A : vector<256x1024xi32>
      %lt3A_134 = vector.broadcast %min3A_132 : i32 to vector<256x1024xi32>
      %lt3A_135 = arith.cmpi slt, %iota3A, %lt3A_134 : vector<256x1024xi32>
      %and3A_136 = arith.andi %ge3A_133, %lt3A_135 : vector<256x1024xi1>
      %get3A_137 = arith.index_cast %mul3A_28 : i32 to index
      %get3A_138 = arith.constant 0 : index
      %get3A_139 = vector.load %arg12[%get3A_137, %get3A_138] : memref<2048x1024xf32, #tpu.memory_space<vmem>>, vector<256x1024xf32>
      %jit3A_140 = arith.constant 0.000000e+00 : f32
      %broadcast_in_dim3A = vector.broadcast %jit3A_140 : f32 to vector<256x1024xf32>
      %select_n3A_141 = arith.select %and3A_136, %add3A_126, %broadcast_in_dim3A : vector<256x1024xi1>, vector<256x1024xf32>
      %add3A_142 = arith.addf %get3A_139, %select_n3A_141 : vector<256x1024xf32>
      %swap3A = arith.index_cast %mul3A_28 : i32 to index
      %swap3A_143 = arith.constant 0 : index
      %swap3A_144 = vector.load %arg12[%swap3A, %swap3A_143] : memref<2048x1024xf32, #tpu.memory_space<vmem>>, vector<256x1024xf32>
      tpu.vector_store %arg12[%swap3A, %swap3A_143], %add3A_142 {strides = array<i32>} : memref<2048x1024xf32, #tpu.memory_space<vmem>>, vector<256x1024xf32>,
    } else {
    }
    return
  }
  func.func @transform_0(%arg0: i32, %arg1: i32, %arg2: i32, %arg3: memref<8xi32, #tpu.memory_space<smem>>, %arg4: memref<8xi32, #tpu.memory_space<smem>>) -> (i32, i32) {
    %c0_i32 = arith.constant 0 : i32
    %c0_i32_0 = arith.constant 0 : i32
    %c0_i32_1 = arith.constant 0 : i32
    return %c0_i32, %c0_i32_0 : i32, i32
  }
  func.func @transform_1(%arg0: i32, %arg1: i32, %arg2: i32, %arg3: memref<8xi32, #tpu.memory_space<smem>>, %arg4: memref<8xi32, #tpu.memory_space<smem>>) -> (i32, i32, i32) {
    %c0_i32 = arith.constant 0 : i32
    %c0_i32_0 = arith.constant 0 : i32
    return %arg0, %arg1, %c0_i32 : i32, i32, i32
  }
  func.func @transform_2(%arg0: i32, %arg1: i32, %arg2: i32, %arg3: memref<8xi32, #tpu.memory_space<smem>>, %arg4: memref<8xi32, #tpu.memory_space<smem>>) -> (i32, i32, i32) {
    %c0_i32 = arith.constant 0 : i32
    %c0_i32_0 = arith.constant 0 : i32
    return %arg0, %c0_i32, %arg1 : i32, i32, i32
  }
  func.func @transform_3(%arg0: i32, %arg1: i32, %arg2: i32, %arg3: memref<8xi32, #tpu.memory_space<smem>>, %arg4: memref<8xi32, #tpu.memory_space<smem>>) -> (i32, i32, i32) {
    %c0_i32 = arith.constant 0 : i32
    %c0_i32_0 = arith.constant 0 : i32
    return %arg0, %c0_i32, %arg1 : i32, i32, i32
  }
  func.func @transform_4(%arg0: i32, %arg1: i32, %arg2: i32, %arg3: memref<8xi32, #tpu.memory_space<smem>>, %arg4: memref<8xi32, #tpu.memory_space<smem>>) -> (i32, i32, i32) {
    %c0_i32 = arith.constant 0 : i32
    %c0_i32_0 = arith.constant 0 : i32
    %c0_i32_1 = arith.constant 0 : i32
    return %arg0, %c0_i32, %c0_i32_0 : i32, i32, i32
  }
  func.func @transform_5(%arg0: i32, %arg1: i32, %arg2: i32, %arg3: memref<8xi32, #tpu.memory_space<smem>>, %arg4: memref<8xi32, #tpu.memory_space<smem>>) -> (i32, i32) {
    %c0_i32 = arith.constant 0 : i32
    %c0_i32_0 = arith.constant 0 : i32
    %c0_i32_1 = arith.constant 0 : i32
    return %c0_i32, %c0_i32_0 : i32, i32
  }
  func.func @transform_6(%arg0: i32, %arg1: i32, %arg2: i32, %arg3: memref<8xi32, #tpu.memory_space<smem>>, %arg4: memref<8xi32, #tpu.memory_space<smem>>) -> (i32, i32) {
    %c0_i32 = arith.constant 0 : i32
    %c0_i32_0 = arith.constant 0 : i32
    %c0_i32_1 = arith.constant 0 : i32
    return %c0_i32, %c0_i32_0 : i32, i32
  }
  func.func @transform_7(%arg0: i32, %arg1: i32, %arg2: i32, %arg3: memref<8xi32, #tpu.memory_space<smem>>, %arg4: memref<8xi32, #tpu.memory_space<smem>>) -> (i32, i32) {
    %c0_i32 = arith.constant 0 : i32
    %c0_i32_0 = arith.constant 0 : i32
    %c0_i32_1 = arith.constant 0 : i32
    return %c0_i32, %c0_i32_0 : i32, i32
  }
}

</mosaic_0001>

<sc_bundles>
// kernel: kernel.12.cloned.1.call-start
scs
__scs_entry_jumppad:
0x0: {  	(pc) =	sbr.rel $0x88, $3  }
0x1: {  	(tag) =	ssettag $0x0;
	lr =	simm.s32 $0x1  }
0x2: {  	[smem:$0x3F91] =	sst lr;
	_ =	strace $0xD0000000  }
0x3: {  	_ = 	snop  }
0x4: {  	_ = 	snop  }
0x5: {  	_ = 	snop  }
0x6: {  	_ = 	snop  }
0x7: {  	_ = 	snop  }
__scs_overlays_trampoline_lowered:
0x8: {  	[smem:$0x3FA0] =	sst s0  }
0x9: {  	[smem:$0x3FA1] =	sst s1  }
0xa: {  	[smem:$0x3FA2] =	sst s2  }
0xb: {  	[smem:$0x3FA3] =	sst s3  }
0xc: {  	[smem:$0x3FA4] =	sst s4  }
0xd: {  	[smem:$0x3FA5] =	sst s5  }
0xe: {  	[smem:$0x3FA6] =	sst s6  }
0xf: {  	[smem:$0x3FA7] =	sst s7  }
0x10: {  	[smem:$0x3FA8] =	sst s8  }
0x11: {  	[smem:$0x3FA9] =	sst s9;
	s0 =	simm.s32 @!p0 $0x0  }
0x12: {  	s1 =	sld [smem:$0x3F8F];
	s0 =	simm.s32 @p0 $0x1  }
0x13: {  	[smem:$0x3FAA] =	sst s0;
	s0 =	simm.s32 @!p1 $0x0  }
0x14: {  	s2 =	sld [smem:$0x3F8E];
	s0 =	simm.s32 @p1 $0x1  }
0x15: {  	[smem:$0x3FAB] =	sst s0;
	s0 =	simm.s32 @!p2 $0x0  }
0x16: {  	s3 =	sld [smem:$0x3FDB];
	s0 =	simm.s32 @p2 $0x1  }
0x17: {  	s4 =	simm.s32 $0x1BF5;
	[smem:$0x3FAD] =	sst s0  }
0x18: {  	s0 =	sld [smem:$0x3F90];
	_ =	swait.ge [sflag:s4], $0x0  }
0x19: {  	s7 =	sld [smem:$0x3F91]  }
0x1a: {  	s8 =	sadd.s32 $0xFFFFE003, lr  }
0x1b: {  	s9 =	sadd.s32 $0xFFFFFEF7, lr;
	s5 =	simm.s32 $0xFFFFFFFF;
	p2 =	slt.u32 s8, $0xFFFFF086  }
0x1c: {  	p1 =	slt.u32 s9, $0xF7A;
	s5 =	simm.s32 @!p2 $0x0  }
0x1d: {  	s5 =	simm.s32 @p1 $0x1;
	p0 =	seq.s32 s7, s2  }
0x1e: {  	s7 =	smul.u32 @!p0 $0xF7A, s2;
	p2 =	seq.s32 @!p0 s5, $0x0  }
0x1f: {  	s9 =	smul.u32 $0xF7A, s1;
	s8 =	simm.s32 @!p0 $0x1BF5;
	p2 =	por !p2, p0  }
0x20: {  	[sflag:s8] =	ssyncset.s32 @!p0 $0xFFFFF086;
	s6 =	sadd.s32 @!p0 s3, s7;
	s7 =	simm.s32 @!p0 $0x108  }
0x21: {  	s3 =	sadd.s32 s3, s9;
	s6 =	sadd.s32 @!p0 $0x88, s6;
	s7 =	simm.s32 @p2 $0x1082  }
0x22: {  	[simem:s7], [sflag:s8] =	dma.local @!p0 [hbm:s6], $0xF7A  }
0x23: {  	s9 =	sor.u32 $0xD0000000, s2;
	s6 =	simm.s32 $0x108;
	_ =	swait.ge @!p0 [sflag:s8], $0x0  }
0x24: {  	s3 =	sadd.s32 $0x88, s3;
	s6 =	simm.s32 @!p1 $0x1082;
	[sflag:s4] =	ssyncset.s32 $0xFFFFF086  }
0x25: {  	[simem:s6], [sflag:s4] =	dma.local [hbm:s3], $0xF7A  }
0x26: {  	[smem:$0x3F91] =	sst s1;
	(tag) =	ssettag s2;
	_ =	strace s9  }
0x27: {  	s1 =	sld [smem:$0x3FA1]  }
0x28: {  	s2 =	sld [smem:$0x3FA2]  }
0x29: {  	s4 =	sld [smem:$0x3FA4]  }
0x2a: {  	p0 =	seq.s32 s5, $0x0;
	s5 =	sld [smem:$0x3FA5]  }
0x2b: {  	s6 =	sld [smem:$0x3FA6]  }
0x2c: {  	s7 =	sld [smem:$0x3FA7]  }
0x2d: {  	s3 =	simm.s32 $0x108;
	s8 =	sld [smem:$0x3FA8]  }
0x2e: {  	s3 =	simm.s32 @!p0 $0x1082;
	s9 =	sld [smem:$0x3FA9]  }
0x2f: {  	lr =	sadd.s32 s0, s3;
	s0 =	sld [smem:$0x3FA0]  }
0x30: {  	s3 =	sld [smem:$0x3FA3]  }
0x31: {  	[smem:$0x3FAC] =	sst s10  }
0x32: {  	s10 =	sld [smem:$0x3FAA];
	_ =	sdelay $0x3  }
0x33: {  	p0 =	seq.s32 s10, $0x1;
	s10 =	sld [smem:$0x3FAC];
	_ =	sdelay $0x3  }
0x34: {  	[smem:$0x3FAC] =	sst s10  }
0x35: {  	s10 =	sld [smem:$0x3FAB];
	_ =	sdelay $0x3  }
0x36: {  	p1 =	seq.s32 s10, $0x1;
	s10 =	sld [smem:$0x3FAC];
	_ =	sdelay $0x3  }
0x37: {  	[smem:$0x3FAC] =	sst s10  }
0x38: {  	s10 =	sld [smem:$0x3FAD]  }
0x39: {  	_ = 	snop;
	(pc) =	sbr.ind lr, $3  }
0x3a: {  	_ = 	snop  }
0x3b: {  	_ = 	snop  }
0x3c: {  	p2 =	seq.s32 s10, $0x1;
	s10 =	sld [smem:$0x3FAC]  }
0x3d: {  	_ =	shalt  }
0x3e: {  	_ =	shalt  }
0x3f: {  	_ =	shalt  }
0x40: {  	_ =	shalt  }
0x41: {  	_ =	shalt  }
0x42: {  	_ =	shalt  }
0x43: {  	_ =	shalt  }
0x44: {  	_ =	shalt  }
0x45: {  	_ =	shalt  }
0x46: {  	_ =	shalt  }
0x47: {  	_ =	shalt  }
0x48: {  	_ =	shalt  }
0x49: {  	_ =	shalt  }
0x4a: {  	_ =	shalt  }
0x4b: {  	_ =	shalt  }
0x4c: {  	_ =	shalt  }
0x4d: {  	_ =	shalt  }
0x4e: {  	_ =	shalt  }
0x4f: {  	_ =	shalt  }
0x50: {  	_ =	shalt  }
0x51: {  	_ =	shalt  }
0x52: {  	_ =	shalt  }
0x53: {  	_ =	shalt  }
0x54: {  	_ =	shalt  }
0x55: {  	_ =	shalt  }
0x56: {  	_ =	shalt  }
0x57: {  	_ =	shalt  }
0x58: {  	_ =	shalt  }
0x59: {  	_ =	shalt  }
0x5a: {  	_ =	shalt  }
0x5b: {  	_ =	shalt  }
0x5c: {  	_ =	shalt  }
0x5d: {  	_ =	shalt  }
0x5e: {  	_ =	shalt  }
0x5f: {  	_ =	shalt  }
0x60: {  	_ =	shalt  }
0x61: {  	_ =	shalt  }
0x62: {  	_ =	shalt  }
0x63: {  	_ =	shalt  }
0x64: {  	_ =	shalt  }
0x65: {  	_ =	shalt  }
0x66: {  	_ =	shalt  }
0x67: {  	_ =	shalt  }
0x68: {  	_ =	shalt  }
0x69: {  	_ =	shalt  }
0x6a: {  	_ =	shalt  }
0x6b: {  	_ =	shalt  }
0x6c: {  	_ =	shalt  }
0x6d: {  	_ =	shalt  }
0x6e: {  	_ =	shalt  }
0x6f: {  	_ =	shalt  }
0x70: {  	_ =	shalt  }
0x71: {  	_ =	shalt  }
0x72: {  	_ =	shalt  }
0x73: {  	_ =	shalt  }
0x74: {  	_ =	shalt  }
0x75: {  	_ =	shalt  }
0x76: {  	_ =	shalt  }
0x77: {  	_ =	shalt  }
0x78: {  	_ =	shalt  }
0x79: {  	_ =	shalt  }
0x7a: {  	_ =	shalt  }
0x7b: {  	_ =	shalt  }
0x7c: {  	_ =	shalt  }
0x7d: {  	_ =	shalt  }
0x7e: {  	_ =	shalt  }
0x7f: {  	_ =	shalt  }
0x80: {  	_ =	shalt  }
0x81: {  	_ =	shalt  }
0x82: {  	_ =	shalt  }
0x83: {  	_ =	shalt  }
0x84: {  	_ =	shalt  }
0x85: {  	_ =	shalt  }
0x86: {  	_ =	shalt  }
0x87: {  	_ =	shalt  }
.Lfunc_end0:
.L_simem_size_0:
called_computation.1_lowered:
.L_overlay_start_0:
0x88: {  	s2 =	sld [smem:$0x3FD9]  }
0x89: {  	s3 =	sld [smem:$0x3FFE];
	_ =	sdelay $0x1  }
0x8a: {  	s1 =	srdreg.scid  }
0x8b: {  	s0 =	sand.u32 $0x1, s1  }
0x8c: {  	s17 =	sshll.u32 s0, $0xA;
	s2 =	sadd.s32 s3, s2  }
0x8d: {  	s2 =	sadd.s32 s2, s17  }
0x8e: {  	[smem:$0x3FB8] =	sst s2  }
0x8f: {  	_ = 	snop  }
0x90: {  	s2 =	sld [smem:$0x3FD0];
	(tm) =	ssettm $0x1  }
0x91: {  	s18 =	sld [smem:$0x3FFB];
	_ =	sdelay $0x3  }
0x92: {  	_ =	strace s18  }
0x93: {  	s3 =	sld [smem:$0x3FFC];
	_ =	sdelay $0x3  }
0x94: {  	_ =	strace s3  }
0x95: {  	s3 =	sld [smem:$0x3FFD];
	_ =	sdelay $0x3  }
0x96: {  	_ =	strace s3  }
0x97: {  	_ =	strace $0x8FFFFFFF  }
0x98: {  	s19 =	sld [smem:$0x3FDB];
	_ =	sdelay $0x1  }
0x99: {  	s4 =	simm.s32 $_scs_section_size  }
0x9a: {  	s5 =	simm.s32 $_size__tile_overlayer_lowered;
	s6 =	simm.s32 $_tile_overlayer_lowered  }
0x9b: {  	s22 =	simm.s32 $0x1BFF;
	s21 =	sshll.u32 s6, $0x1;
	s3 =	sadd.s32 s4, s19  }
0x9c: {  	s7 =	simm.s32 $0x0;
	s20 =	sshll.u32 s5, $0x1;
	s5 =	sadd.s32 s21, s3  }
0x9d: {  	[timem:s7], [sflag:s22] =	dma.local [hbm:s5], s20  }
0x9e: {  	_ =	swait.ge [sflag:s22], s20  }
0x9f: {  	s4 =	ssub.s32 $0x0, s20;
	[sflag:s22] =	ssyncset.done $0x0  }
0xa0: {  	[sflag:s22] =	ssyncadd.s32 s4;
	_ =	sdelay $0x1  }
0xa1: {  	s23 =	simm.s32 $0x1B8B  }
0xa2: {  	_ =	swait.ge [sflag:s23], $0x1  }
0xa3: {  	[sflag:s23] =	ssyncset.done $0x0  }
0xa4: {  	s25 =	simm.s32 $0x1B8E;
	s24 =	sld [smem:$0x3FFE];
	[sflag:s23] =	ssyncadd.s32 $0xFFFFFFFF  }
0xa5: {  	s26 =	simm.s32 $execute0_lowered;
	[smem:$0x3FD2] =	sst s25  }
0xa6: {  	s5 =	sshll.u32 s26, $0x1;
	_ =	strace $0x80000049;
	[dreg:$0x1] =	wrdreg $0xFFFFFFFF  }
0xa7: {  	s28 =	simm.s32 $_size_execute0_lowered;
	s3 =	sadd.s32 s3, s5;
	[dreg:$0x0] =	wrdreg $0x0  }
0xa8: {  	s5 =	sshll.u32 s28, $0x1;
	[dreg:$0x2] =	wrdreg s3  }
0xa9: {  	[dreg:$0x3] =	wrdreg s5  }
0xaa: {  	[dreg:$0x4] =	wrdreg $0xC0  }
0xab: {  	_ =	task [dreg:s7], $0x5FFFF  }
0xac: {  	[dreg:$0x1] =	wrdreg $0xFFFFFFFF  }
0xad: {  	[dreg:$0x0] =	wrdreg $0x60  }
0xae: {  	[dreg:$0x2] =	wrdreg s24  }
0xaf: {  	[dreg:$0x3] =	wrdreg s2  }
0xb0: {  	[dreg:$0x4] =	wrdreg $0x9  }
0xb1: {  	_ =	task.clear_ibuf [dreg:s7], $0x5FFFF;
	_ =	strace $0x90000049  }
0xb2: {  	s29 =	simm.s32 $0x9;
	_ =	strace $0x8000004B  }
0xb3: {  	_ =	swait.ge [sflag:s29], $0x1  }
0xb4: {  	[sflag:s29] =	ssyncadd.s32 $0xFFFFFFFF  }
0xb5: {  	_ =	strace $0x9000004B  }
0xb6: {  	_ =	sfence  }
0xb7: {  	s30 =	sld [smem:$0x0];
	_ =	sdelay $0x2  }
0xb8: {  	s31 =	sshll.u32 s1, $0xD;
	s1 =	sshrl.u32 s1, $0x2  }
0xb9: {  	s3 =	sand.u32 $0x4000, s31;
	s1 =	sadd.s32 s1, s30  }
0xba: {  	s0 =	sor.u32 s3, s0;
	s1 =	sshll.u32 s1, $0x11  }
0xbb: {  	s0 =	sor.u32 s1, s0  }
0xbc: {  	s0 =	sadd.s32 $0x8F2B, s0  }
0xbd: {  	[sflag:s0] =	ssyncadd.remote.s32 $0x1  }
0xbe: {  	_ =	sfence.sel $0xFFFF  }
0xbf: {  	[dreg:$0x0] =	wrdreg $0xFFFFFFFF;
	(pc) =	sbr.abs _section_cstart, $3  }
0xc0: {  	[dreg:$0x1] =	wrdreg $0xFFFFFFFF  }
0xc1: {  	_ =	task.clear_ibuf [dreg:s7], $0x2FFFF;
	_ =	strace $0x9FFFFFFF  }
0xc2: {  	(tm) =	ssettm $0x7FFFFFFF  }
0xc3: {  	_ =	shalt  }
tec
execute0_lowered:
.L_overlay_start_1:
0x0: {  	(tag) =	ssettag $0x1  }
0x1: {  	s1 =	srdreg.scid  }
0x2: {  	s0 =	stileid.u32;
	s6 =	rddreg [dreg:$0x0]  }
0x3: {  	s4 =	rddreg [dreg:$0x1];
	s18 =	simm.s32 $0x880;
	s19 =	simm.s32 $0x1080  }
0x4: {  	s20 =	simm.s32 $0x1880;
	s22 =	simm.s32 $0x2080;
	s23 =	simm.s32 $0x2880  }
0x5: {  	s7 =	simm.s32 $0x3080;
	s24 =	simm.s32 $0x3880;
	s8 =	simm.s32 $0x4080  }
0x6: {  	s25 =	simm.s32 $0x4880;
	s26 =	simm.s32 $0x5080;
	s1 =	sand.u32 $0x1, s1  }
0x7: {  	s9 =	simm.s32 $0x80;
	s2 =	sshll.u32 s0, $0x7;
	s3 =	sshll.u32 s1, $0x6  }
0x8: {  	s11 =	simm.s32 $0x6080;
	s3 =	sor.u32 s3, s2;
	s2 =	simm.s32 $0x0  }
0x9: {  	s12 =	simm.s32 $0x6880;
	s13 =	simm.s32 $0x7080;
	[smem:$0x7FF] =	sst s2  }
0xa: {  	s14 =	simm.s32 $0x7880;
	_ =	strace $0x8000004A;
	[dreg:$0x5] =	wrdreg s18  }
0xb: {  	s15 =	simm.s32 $0x8080;
	s16 =	simm.s32 $0x8880;
	[dreg:$0x6] =	wrdreg s19  }
0xc: {  	s17 =	simm.s32 $0x9080;
	s28 =	simm.s32 $0xE080;
	[dreg:$0x7] =	wrdreg s20  }
0xd: {  	s29 =	simm.s32 $0xE880;
	s30 =	simm.s32 $0xF080;
	[dreg:$0x8] =	wrdreg s22  }
0xe: {  	s31 =	simm.s32 $0xF880;
	s1 =	ssub.s32 $0x2, s1;
	[dreg:$0x9] =	wrdreg s23  }
0xf: {  	s21 =	sshrl.u32 s1, $0x1;
	s5 =	sshrl.u32 s3, $0x3;
	[dreg:$0xa] =	wrdreg s7  }
0x10: {  	s3 =	sshll.u32 s3, $0x7;
	s1 =	ssub.s32 s1, s21;
	[dreg:$0xb] =	wrdreg s24  }
0x11: {  	s21 =	simm.s32 $0xB080;
	s5 =	sadd.s32 s5, s6;
	[dreg:$0xc] =	wrdreg s8  }
0x12: {  	s3 =	sadd.s32 s4, s3;
	s4 =	sadd.s32 $0x3900, s6;
	[dreg:$0xd] =	wrdreg s25  }
0x13: {  	s7 =	smax.u32 s1, $0x1;
	s8 =	simm.s32 $0x2;
	[dreg:$0xe] =	wrdreg s26  }
0x14: {  	s18 =	simm.s32 $0x9880;
	s19 =	simm.s32 $0xA080;
	s20 =	simm.s32 $0xA880  }
0x15: {  	s22 =	simm.s32 $0xB880;
	s23 =	simm.s32 $0xC080;
	s24 =	simm.s32 $0xC880  }
0x16: {  	v2 =	vlaneseq.u32;
	s25 =	simm.s32 $0xD080;
	s26 =	simm.s32 $0xD880;
	s1 =	simm.s32 $0x1  }
0x17: {  	vm0 =	vmmov $0xffff;
	v1 =	vshrl.u32 v2, $0x3;
	s5 =	sadd.s32 $0x3600, s5;
	[dreg:$0x4] =	wrdreg s3;
	s3 =	sadd.s32 $0x3800, s6  }
0x18: {  	v0 =	vand.u32 $0x7, v2;
	v2 =	vor.u32 $0x8, v2;
	v1 =	vmul.u32 $0x8, v1;
	[dreg:$0x3] =	wrdreg s5;
	s5 =	sadd.s32 $0x3A00, s6;
	s6 =	sadd.s32 $0x3B00, s6  }
.LBB2_1:
0x19: {  	s0 =	rddreg [dreg:$0x3]  }
0x1a: {  	[tilespmem:s2], [sflag:$0x2] =	stream.linear.gather [hbm4b:s0+s2], $0x40, $0x38;
	[tilespmem:$0x10080] =	vst v63  }
0x1b: {  	_ =	swait.ge [sflag:s8], $0x40  }
0x1c: {  	[sflag:s8] =	ssyncset.done $0x0  }
0x1d: {  	[sflag:s8] =	ssyncadd.s32 $0xFFFFFFC0  }
0x1e: {  	v3 =	vld [tilespmem:$0x0];
	_ =	sdelay $0x4  }
0x1f: {  	v4 =	vshll.u32 v3, $0x3  }
0x20: {  	v3 =	vand.u32 $0x7, v3;
	v4 =	vand.u32 $0xFFFFFFC0, v4  }
0x21: {  	v3 =	vor.u32 v3, v4  }
0x22: {  	v4 =	vperm.xlane v3, v0;
	_ =	sdelay $0x1  }
0x23: {  	v4 =	vadd.s32 v1, v4;
	_ =	sdelay $0x4  }
0x24: {  	[tilespmem:s9], [sflag:$0x1] =	stream.indirect_vreg.gather [hbm4b:s3+s2], $0x80, v4, vm0, $0xb8;
	[tilespmem:$0x10080] =	vst v63  }
0x25: {  	s0 =	rddreg [dreg:$0x5];
	v3 =	vperm.xlane v3, v2  }
0x26: {  	[tilespmem:s0], [sflag:$0x1] =	stream.indirect_vreg.gather [hbm4b:s4+s2], $0x80, v4, vm0, $0xb8;
	[tilespmem:$0x10080] =	vst v63  }
0x27: {  	s10 =	rddreg [dreg:$0x6];
	v3 =	vadd.s32 v1, v3  }
0x28: {  	[tilespmem:s10], [sflag:$0x1] =	stream.indirect_vreg.gather [hbm4b:s5+s2], $0x80, v4, vm0, $0xb8;
	[tilespmem:$0x10080] =	vst v63  }
0x29: {  	s0 =	rddreg [dreg:$0x7]  }
0x2a: {  	[tilespmem:s0], [sflag:$0x1] =	stream.indirect_vreg.gather [hbm4b:s6+s2], $0x80, v4, vm0, $0xb8;
	[tilespmem:$0x10080] =	vst v63  }
0x2b: {  	s10 =	rddreg [dreg:$0x8]  }
0x2c: {  	[tilespmem:s10], [sflag:$0x1] =	stream.indirect_vreg.gather [hbm4b:s3+s2], $0x80, v3, vm0, $0xb8;
	[tilespmem:$0x10080] =	vst v63  }
0x2d: {  	s0 =	rddreg [dreg:$0x9]  }
0x2e: {  	[tilespmem:s0], [sflag:$0x1] =	stream.indirect_vreg.gather [hbm4b:s4+s2], $0x80, v3, vm0, $0xb8;
	[tilespmem:$0x10080] =	vst v63  }
0x2f: {  	s10 =	rddreg [dreg:$0xa]  }
0x30: {  	[tilespmem:s10], [sflag:$0x1] =	stream.indirect_vreg.gather [hbm4b:s5+s2], $0x80, v3, vm0, $0xb8;
	[tilespmem:$0x10080] =	vst v63  }
0x31: {  	s0 =	rddreg [dreg:$0xb]  }
0x32: {  	[tilespmem:s0], [sflag:$0x1] =	stream.indirect_vreg.gather [hbm4b:s6+s2], $0x80, v3, vm0, $0xb8;
	[tilespmem:$0x10080] =	vst v63  }
0x33: {  	v3 =	vld [tilespmem:$0x10];
	_ =	sdelay $0x4  }
0x34: {  	v61 =	vshll.u32 v3, $0x3  }
0x35: {  	v3 =	vand.u32 $0x7, v3;
	v4 =	vand.u32 $0xFFFFFFC0, v61  }
0x36: {  	v3 =	vor.u32 v3, v4  }
0x37: {  	v4 =	vperm.xlane v3, v0;
	_ =	sdelay $0x1  }
0x38: {  	v4 =	vadd.s32 v1, v4;
	_ =	sdelay $0x3  }
0x39: {  	s0 =	rddreg [dreg:$0xc]  }
0x3a: {  	[tilespmem:s0], [sflag:$0x1] =	stream.indirect_vreg.gather [hbm4b:s3+s2], $0x80, v4, vm0, $0xb8;
	[tilespmem:$0x10080] =	vst v63  }
0x3b: {  	s10 =	rddreg [dreg:$0xd];
	v3 =	vperm.xlane v3, v2  }
0x3c: {  	[tilespmem:s10], [sflag:$0x1] =	stream.indirect_vreg.gather [hbm4b:s4+s2], $0x80, v4, vm0, $0xb8;
	[tilespmem:$0x10080] =	vst v63  }
0x3d: {  	v3 =	vadd.s32 v1, v3;
	s0 =	rddreg [dreg:$0xe]  }
0x3e: {  	[tilespmem:s0], [sflag:$0x1] =	stream.indirect_vreg.gather [hbm4b:s5+s2], $0x80, v4, vm0, $0xb8;
	[tilespmem:$0x10080] =	vst v63  }
0x3f: {  	s10 =	simm.s32 $0x5880  }
0x40: {  	[tilespmem:s10], [sflag:$0x1] =	stream.indirect_vreg.gather [hbm4b:s6+s2], $0x80, v4, vm0, $0xb8;
	[tilespmem:$0x10080] =	vst v63  }
0x41: {  	_ = 	snop  }
0x42: {  	[tilespmem:s11], [sflag:$0x1] =	stream.indirect_vreg.gather [hbm4b:s3+s2], $0x80, v3, vm0, $0xb8;
	[tilespmem:$0x10080] =	vst v63  }
0x43: {  	_ = 	snop  }
0x44: {  	[tilespmem:s12], [sflag:$0x1] =	stream.indirect_vreg.gather [hbm4b:s4+s2], $0x80, v3, vm0, $0xb8;
	[tilespmem:$0x10080] =	vst v63  }
0x45: {  	_ = 	snop  }
0x46: {  	[tilespmem:s13], [sflag:$0x1] =	stream.indirect_vreg.gather [hbm4b:s5+s2], $0x80, v3, vm0, $0xb8;
	[tilespmem:$0x10080] =	vst v63  }
0x47: {  	_ = 	snop  }
0x48: {  	[tilespmem:s14], [sflag:$0x1] =	stream.indirect_vreg.gather [hbm4b:s6+s2], $0x80, v3, vm0, $0xb8;
	[tilespmem:$0x10080] =	vst v63  }
0x49: {  	v3 =	vld [tilespmem:$0x20];
	_ =	sdelay $0x4  }
0x4a: {  	v62 =	vshll.u32 v3, $0x3  }
0x4b: {  	v3 =	vand.u32 $0x7, v3;
	v4 =	vand.u32 $0xFFFFFFC0, v62  }
0x4c: {  	v3 =	vor.u32 v3, v4  }
0x4d: {  	v4 =	vperm.xlane v3, v0;
	_ =	sdelay $0x1  }
0x4e: {  	v4 =	vadd.s32 v1, v4;
	_ =	sdelay $0x4  }
0x4f: {  	[tilespmem:s15], [sflag:$0x1] =	stream.indirect_vreg.gather [hbm4b:s3+s2], $0x80, v4, vm0, $0xb8;
	[tilespmem:$0x10080] =	vst v63  }
0x50: {  	v3 =	vperm.xlane v3, v2  }
0x51: {  	[tilespmem:s16], [sflag:$0x1] =	stream.indirect_vreg.gather [hbm4b:s4+s2], $0x80, v4, vm0, $0xb8;
	[tilespmem:$0x10080] =	vst v63  }
0x52: {  	v3 =	vadd.s32 v1, v3  }
0x53: {  	[tilespmem:s17], [sflag:$0x1] =	stream.indirect_vreg.gather [hbm4b:s5+s2], $0x80, v4, vm0, $0xb8;
	[tilespmem:$0x10080] =	vst v63  }
0x54: {  	_ = 	snop  }
0x55: {  	[tilespmem:s18], [sflag:$0x1] =	stream.indirect_vreg.gather [hbm4b:s6+s2], $0x80, v4, vm0, $0xb8;
	[tilespmem:$0x10080] =	vst v63  }
0x56: {  	_ = 	snop  }
0x57: {  	[tilespmem:s19], [sflag:$0x1] =	stream.indirect_vreg.gather [hbm4b:s3+s2], $0x80, v3, vm0, $0xb8;
	[tilespmem:$0x10080] =	vst v63  }
0x58: {  	_ = 	snop  }
0x59: {  	[tilespmem:s20], [sflag:$0x1] =	stream.indirect_vreg.gather [hbm4b:s4+s2], $0x80, v3, vm0, $0xb8;
	[tilespmem:$0x10080] =	vst v63  }
0x5a: {  	_ = 	snop  }
0x5b: {  	[tilespmem:s21], [sflag:$0x1] =	stream.indirect_vreg.gather [hbm4b:s5+s2], $0x80, v3, vm0, $0xb8;
	[tilespmem:$0x10080] =	vst v63  }
0x5c: {  	_ = 	snop  }
0x5d: {  	[tilespmem:s22], [sflag:$0x1] =	stream.indirect_vreg.gather [hbm4b:s6+s2], $0x80, v3, vm0, $0xb8;
	[tilespmem:$0x10080] =	vst v63  }
0x5e: {  	v3 =	vld [tilespmem:$0x30];
	_ =	sdelay $0x4  }
0x5f: {  	v63 =	vshll.u32 v3, $0x3  }
0x60: {  	v3 =	vand.u32 $0x7, v3;
	v4 =	vand.u32 $0xFFFFFFC0, v63  }
0x61: {  	v3 =	vor.u32 v3, v4  }
0x62: {  	v4 =	vperm.xlane v3, v0;
	_ =	sdelay $0x1  }
0x63: {  	v4 =	vadd.s32 v1, v4;
	_ =	sdelay $0x4  }
0x64: {  	[tilespmem:s23], [sflag:$0x1] =	stream.indirect_vreg.gather [hbm4b:s3+s2], $0x80, v4, vm0, $0xb8;
	[tilespmem:$0x10080] =	vst v63  }
0x65: {  	v3 =	vperm.xlane v3, v2  }
0x66: {  	[tilespmem:s24], [sflag:$0x1] =	stream.indirect_vreg.gather [hbm4b:s4+s2], $0x80, v4, vm0, $0xb8;
	[tilespmem:$0x10080] =	vst v63  }
0x67: {  	v3 =	vadd.s32 v1, v3  }
0x68: {  	[tilespmem:s25], [sflag:$0x1] =	stream.indirect_vreg.gather [hbm4b:s5+s2], $0x80, v4, vm0, $0xb8;
	[tilespmem:$0x10080] =	vst v63  }
0x69: {  	_ = 	snop  }
0x6a: {  	[tilespmem:s26], [sflag:$0x1] =	stream.indirect_vreg.gather [hbm4b:s6+s2], $0x80, v4, vm0, $0xb8;
	[tilespmem:$0x10080] =	vst v63  }
0x6b: {  	_ = 	snop  }
0x6c: {  	[tilespmem:s28], [sflag:$0x1] =	stream.indirect_vreg.gather [hbm4b:s3+s2], $0x80, v3, vm0, $0xb8;
	[tilespmem:$0x10080] =	vst v63  }
0x6d: {  	_ = 	snop  }
0x6e: {  	[tilespmem:s29], [sflag:$0x1] =	stream.indirect_vreg.gather [hbm4b:s4+s2], $0x80, v3, vm0, $0xb8;
	[tilespmem:$0x10080] =	vst v63  }
0x6f: {  	_ = 	snop  }
0x70: {  	[tilespmem:s30], [sflag:$0x1] =	stream.indirect_vreg.gather [hbm4b:s5+s2], $0x80, v3, vm0, $0xb8;
	[tilespmem:$0x10080] =	vst v63  }
0x71: {  	_ = 	snop  }
0x72: {  	[tilespmem:s31], [sflag:$0x1] =	stream.indirect_vreg.gather [hbm4b:s6+s2], $0x80, v3, vm0, $0xb8;
	[tilespmem:$0x10080] =	vst v63  }
0x73: {  	_ =	swait.ge [sflag:s1], $0x10000  }
0x74: {  	p0 =	sne.s32 s7, $0x1;
	[sflag:s1] =	ssyncset.done $0x0  }
.Ltmp0:
0x75: {  	s10 =	rddreg [dreg:$0x4];
	[sflag:s1] =	ssyncadd.s32 $0xFFFF0000;
	(pc) =	sbr.rel @p0 .LBB2_1-.Ltmp0, $4  }
0x76: {  	[hbm4b:s10+s2] =	stream.linear.scatter [tilespmem:s9], [sflag:$0x2], $0x10000, $0x38;
	[tilespmem:$0x10080] =	vst v63  }
0x77: {  	_ =	swait.ge [sflag:s8], $0x10000  }
0x78: {  	[sflag:s8] =	ssyncset.done $0x0  }
0x79: {  	s7 =	sadd.s32 $0xFFFFFFFF, s7;
	[sflag:s8] =	ssyncadd.s32 $0xFFFF0000  }
0x7a: {  	_ =	sfence.sel $0x180000  }
0x7b: {  	[bflag:$0x0] =	sbarrier.arrive $0xFFFF  }
0x7c: {  	_ =	strace $0x9000004A  }
0x7d: {  	s0 =	stileid.u32;
	[bflag:$0x2] =	sbarrier.arrive $0xFFFF  }
0x7e: {  	p0 =	sne.s32 s0, $0x0;
	s0 =	rddreg [dreg:$0x2]  }
0x7f: {  	s0 =	sadd.s32 @!p0 $0x100000, s0  }
0x80: {  	[sflag:s0] =	ssyncadd.tile.s32 @!p0 $0x1;
	_ =	shalt  }
.Lfunc_end2:
_tile_overlayer_lowered:
.L_overlay_start_2:
0x81: {  	(tag) =	ssettag $0x2  }
0x82: {  	s0 =	rddreg [dreg:$0x0];
	s2 =	stileid.u32  }
0x83: {  	s1 =	rddreg [dreg:$0x1];
	p0 =	sne.s32 s2, $0x0  }
0x84: {  	s3 =	rddreg [dreg:$0x2];
	[bflag:$0x3] =	sbarrier.arrive $0xFFFF;
	s2 =	simm.s32 @!p0 $0x1C02  }
0x85: {  	[timem:s3], [sflag:s2] =	dma.local @!p0 [hbm:s0], s1  }
0x86: {  	s0 =	simm.s32 @!p0 $0x2  }
0x87: {  	_ =	swait.ge @!p0 [sflag:s0], s1  }
0x88: {  	s1 =	ssub.s32 @!p0 $0x0, s1;
	[sflag:s0] =	ssyncset.done @!p0 $0x0  }
0x89: {  	[sflag:s0] =	ssyncadd.s32 @!p0 s1  }
0x8a: {  	[bflag:$0x3] =	sbarrier.arrive $0xFFFF  }
0x8b: {  	_ =	shalt  }

// kernel: kernel.9.cloned.1.call-start
scs
__scs_entry_jumppad:
0x0: {  	(pc) =	sbr.rel $0x88, $3  }
0x1: {  	(tag) =	ssettag $0x0;
	lr =	simm.s32 $0x1  }
0x2: {  	[smem:$0x3F91] =	sst lr;
	_ =	strace $0xD0000000  }
0x3: {  	_ = 	snop  }
0x4: {  	_ = 	snop  }
0x5: {  	_ = 	snop  }
0x6: {  	_ = 	snop  }
0x7: {  	_ = 	snop  }
__scs_overlays_trampoline_lowered:
0x8: {  	[smem:$0x3FA0] =	sst s0  }
0x9: {  	[smem:$0x3FA1] =	sst s1  }
0xa: {  	[smem:$0x3FA2] =	sst s2  }
0xb: {  	[smem:$0x3FA3] =	sst s3  }
0xc: {  	[smem:$0x3FA4] =	sst s4  }
0xd: {  	[smem:$0x3FA5] =	sst s5  }
0xe: {  	[smem:$0x3FA6] =	sst s6  }
0xf: {  	[smem:$0x3FA7] =	sst s7  }
0x10: {  	[smem:$0x3FA8] =	sst s8  }
0x11: {  	[smem:$0x3FA9] =	sst s9;
	s0 =	simm.s32 @!p0 $0x0  }
0x12: {  	s1 =	sld [smem:$0x3F8F];
	s0 =	simm.s32 @p0 $0x1  }
0x13: {  	[smem:$0x3FAA] =	sst s0;
	s0 =	simm.s32 @!p1 $0x0  }
0x14: {  	s2 =	sld [smem:$0x3F8E];
	s0 =	simm.s32 @p1 $0x1  }
0x15: {  	[smem:$0x3FAB] =	sst s0;
	s0 =	simm.s32 @!p2 $0x0  }
0x16: {  	s3 =	sld [smem:$0x3FDB];
	s0 =	simm.s32 @p2 $0x1  }
0x17: {  	s4 =	simm.s32 $0x1BF5;
	[smem:$0x3FAD] =	sst s0  }
0x18: {  	s0 =	sld [smem:$0x3F90];
	_ =	swait.ge [sflag:s4], $0x0  }
0x19: {  	s7 =	sld [smem:$0x3F91]  }
0x1a: {  	s8 =	sadd.s32 $0xFFFFE003, lr  }
0x1b: {  	s9 =	sadd.s32 $0xFFFFFEF7, lr;
	s5 =	simm.s32 $0xFFFFFFFF;
	p2 =	slt.u32 s8, $0xFFFFF086  }
0x1c: {  	p1 =	slt.u32 s9, $0xF7A;
	s5 =	simm.s32 @!p2 $0x0  }
0x1d: {  	s5 =	simm.s32 @p1 $0x1;
	p0 =	seq.s32 s7, s2  }
0x1e: {  	s7 =	smul.u32 @!p0 $0xF7A, s2;
	p2 =	seq.s32 @!p0 s5, $0x0  }
0x1f: {  	s9 =	smul.u32 $0xF7A, s1;
	s8 =	simm.s32 @!p0 $0x1BF5;
	p2 =	por !p2, p0  }
0x20: {  	[sflag:s8] =	ssyncset.s32 @!p0 $0xFFFFF086;
	s6 =	sadd.s32 @!p0 s3, s7;
	s7 =	simm.s32 @!p0 $0x108  }
0x21: {  	s3 =	sadd.s32 s3, s9;
	s6 =	sadd.s32 @!p0 $0x88, s6;
	s7 =	simm.s32 @p2 $0x1082  }
0x22: {  	[simem:s7], [sflag:s8] =	dma.local @!p0 [hbm:s6], $0xF7A  }
0x23: {  	s9 =	sor.u32 $0xD0000000, s2;
	s6 =	simm.s32 $0x108;
	_ =	swait.ge @!p0 [sflag:s8], $0x0  }
0x24: {  	s3 =	sadd.s32 $0x88, s3;
	s6 =	simm.s32 @!p1 $0x1082;
	[sflag:s4] =	ssyncset.s32 $0xFFFFF086  }
0x25: {  	[simem:s6], [sflag:s4] =	dma.local [hbm:s3], $0xF7A  }
0x26: {  	[smem:$0x3F91] =	sst s1;
	(tag) =	ssettag s2;
	_ =	strace s9  }
0x27: {  	s1 =	sld [smem:$0x3FA1]  }
0x28: {  	s2 =	sld [smem:$0x3FA2]  }
0x29: {  	s4 =	sld [smem:$0x3FA4]  }
0x2a: {  	p0 =	seq.s32 s5, $0x0;
	s5 =	sld [smem:$0x3FA5]  }
0x2b: {  	s6 =	sld [smem:$0x3FA6]  }
0x2c: {  	s7 =	sld [smem:$0x3FA7]  }
0x2d: {  	s3 =	simm.s32 $0x108;
	s8 =	sld [smem:$0x3FA8]  }
0x2e: {  	s3 =	simm.s32 @!p0 $0x1082;
	s9 =	sld [smem:$0x3FA9]  }
0x2f: {  	lr =	sadd.s32 s0, s3;
	s0 =	sld [smem:$0x3FA0]  }
0x30: {  	s3 =	sld [smem:$0x3FA3]  }
0x31: {  	[smem:$0x3FAC] =	sst s10  }
0x32: {  	s10 =	sld [smem:$0x3FAA];
	_ =	sdelay $0x3  }
0x33: {  	p0 =	seq.s32 s10, $0x1;
	s10 =	sld [smem:$0x3FAC];
	_ =	sdelay $0x3  }
0x34: {  	[smem:$0x3FAC] =	sst s10  }
0x35: {  	s10 =	sld [smem:$0x3FAB];
	_ =	sdelay $0x3  }
0x36: {  	p1 =	seq.s32 s10, $0x1;
	s10 =	sld [smem:$0x3FAC];
	_ =	sdelay $0x3  }
0x37: {  	[smem:$0x3FAC] =	sst s10  }
0x38: {  	s10 =	sld [smem:$0x3FAD]  }
0x39: {  	_ = 	snop;
	(pc) =	sbr.ind lr, $3  }
0x3a: {  	_ = 	snop  }
0x3b: {  	_ = 	snop  }
0x3c: {  	p2 =	seq.s32 s10, $0x1;
	s10 =	sld [smem:$0x3FAC]  }
0x3d: {  	_ =	shalt  }
0x3e: {  	_ =	shalt  }
0x3f: {  	_ =	shalt  }
0x40: {  	_ =	shalt  }
0x41: {  	_ =	shalt  }
0x42: {  	_ =	shalt  }
0x43: {  	_ =	shalt  }
0x44: {  	_ =	shalt  }
0x45: {  	_ =	shalt  }
0x46: {  	_ =	shalt  }
0x47: {  	_ =	shalt  }
0x48: {  	_ =	shalt  }
0x49: {  	_ =	shalt  }
0x4a: {  	_ =	shalt  }
0x4b: {  	_ =	shalt  }
0x4c: {  	_ =	shalt  }
0x4d: {  	_ =	shalt  }
0x4e: {  	_ =	shalt  }
0x4f: {  	_ =	shalt  }
0x50: {  	_ =	shalt  }
0x51: {  	_ =	shalt  }
0x52: {  	_ =	shalt  }
0x53: {  	_ =	shalt  }
0x54: {  	_ =	shalt  }
0x55: {  	_ =	shalt  }
0x56: {  	_ =	shalt  }
0x57: {  	_ =	shalt  }
0x58: {  	_ =	shalt  }
0x59: {  	_ =	shalt  }
0x5a: {  	_ =	shalt  }
0x5b: {  	_ =	shalt  }
0x5c: {  	_ =	shalt  }
0x5d: {  	_ =	shalt  }
0x5e: {  	_ =	shalt  }
0x5f: {  	_ =	shalt  }
0x60: {  	_ =	shalt  }
0x61: {  	_ =	shalt  }
0x62: {  	_ =	shalt  }
0x63: {  	_ =	shalt  }
0x64: {  	_ =	shalt  }
0x65: {  	_ =	shalt  }
0x66: {  	_ =	shalt  }
0x67: {  	_ =	shalt  }
0x68: {  	_ =	shalt  }
0x69: {  	_ =	shalt  }
0x6a: {  	_ =	shalt  }
0x6b: {  	_ =	shalt  }
0x6c: {  	_ =	shalt  }
0x6d: {  	_ =	shalt  }
0x6e: {  	_ =	shalt  }
0x6f: {  	_ =	shalt  }
0x70: {  	_ =	shalt  }
0x71: {  	_ =	shalt  }
0x72: {  	_ =	shalt  }
0x73: {  	_ =	shalt  }
0x74: {  	_ =	shalt  }
0x75: {  	_ =	shalt  }
0x76: {  	_ =	shalt  }
0x77: {  	_ =	shalt  }
0x78: {  	_ =	shalt  }
0x79: {  	_ =	shalt  }
0x7a: {  	_ =	shalt  }
0x7b: {  	_ =	shalt  }
0x7c: {  	_ =	shalt  }
0x7d: {  	_ =	shalt  }
0x7e: {  	_ =	shalt  }
0x7f: {  	_ =	shalt  }
0x80: {  	_ =	shalt  }
0x81: {  	_ =	shalt  }
0x82: {  	_ =	shalt  }
0x83: {  	_ =	shalt  }
0x84: {  	_ =	shalt  }
0x85: {  	_ =	shalt  }
0x86: {  	_ =	shalt  }
0x87: {  	_ =	shalt  }
.Lfunc_end0:
.L_simem_size_0:
called_computation_lowered:
.L_overlay_start_0:
0x88: {  	s2 =	sld [smem:$0x3FD9]  }
0x89: {  	s3 =	sld [smem:$0x3FFE];
	_ =	sdelay $0x1  }
0x8a: {  	s1 =	srdreg.scid  }
0x8b: {  	s0 =	sand.u32 $0x1, s1  }
0x8c: {  	s17 =	sshll.u32 s0, $0xA;
	s2 =	sadd.s32 s3, s2  }
0x8d: {  	s2 =	sadd.s32 s2, s17  }
0x8e: {  	[smem:$0x3FB8] =	sst s2  }
0x8f: {  	_ = 	snop  }
0x90: {  	s2 =	sld [smem:$0x3FD0];
	(tm) =	ssettm $0x1  }
0x91: {  	s18 =	sld [smem:$0x3FFB];
	_ =	sdelay $0x3  }
0x92: {  	_ =	strace s18  }
0x93: {  	s3 =	sld [smem:$0x3FFC];
	_ =	sdelay $0x3  }
0x94: {  	_ =	strace s3  }
0x95: {  	s3 =	sld [smem:$0x3FFD];
	_ =	sdelay $0x3  }
0x96: {  	_ =	strace s3  }
0x97: {  	_ =	strace $0x8FFFFFFF  }
0x98: {  	s19 =	sld [smem:$0x3FDB];
	_ =	sdelay $0x1  }
0x99: {  	s4 =	simm.s32 $_scs_section_size  }
0x9a: {  	s5 =	simm.s32 $_size__tile_overlayer_lowered;
	s6 =	simm.s32 $_tile_overlayer_lowered  }
0x9b: {  	s22 =	simm.s32 $0x1BFF;
	s21 =	sshll.u32 s6, $0x1;
	s3 =	sadd.s32 s4, s19  }
0x9c: {  	s7 =	simm.s32 $0x0;
	s20 =	sshll.u32 s5, $0x1;
	s5 =	sadd.s32 s21, s3  }
0x9d: {  	[timem:s7], [sflag:s22] =	dma.local [hbm:s5], s20  }
0x9e: {  	_ =	swait.ge [sflag:s22], s20  }
0x9f: {  	s4 =	ssub.s32 $0x0, s20;
	[sflag:s22] =	ssyncset.done $0x0  }
0xa0: {  	[sflag:s22] =	ssyncadd.s32 s4;
	_ =	sdelay $0x1  }
0xa1: {  	s23 =	simm.s32 $0x1B8B  }
0xa2: {  	_ =	swait.ge [sflag:s23], $0x1  }
0xa3: {  	[sflag:s23] =	ssyncset.done $0x0  }
0xa4: {  	s25 =	simm.s32 $0x1B8E;
	s24 =	sld [smem:$0x3FFE];
	[sflag:s23] =	ssyncadd.s32 $0xFFFFFFFF  }
0xa5: {  	s26 =	simm.s32 $execute0_lowered;
	[smem:$0x3FD2] =	sst s25  }
0xa6: {  	s5 =	sshll.u32 s26, $0x1;
	_ =	strace $0x80000046;
	[dreg:$0x1] =	wrdreg $0xFFFFFFFF  }
0xa7: {  	s28 =	simm.s32 $_size_execute0_lowered;
	s3 =	sadd.s32 s3, s5;
	[dreg:$0x0] =	wrdreg $0x0  }
0xa8: {  	s5 =	sshll.u32 s28, $0x1;
	[dreg:$0x2] =	wrdreg s3  }
0xa9: {  	[dreg:$0x3] =	wrdreg s5  }
0xaa: {  	[dreg:$0x4] =	wrdreg $0xC0  }
0xab: {  	_ =	task [dreg:s7], $0x5FFFF  }
0xac: {  	[dreg:$0x1] =	wrdreg $0xFFFFFFFF  }
0xad: {  	[dreg:$0x0] =	wrdreg $0x60  }
0xae: {  	[dreg:$0x2] =	wrdreg s2  }
0xaf: {  	[dreg:$0x3] =	wrdreg s24  }
0xb0: {  	[dreg:$0x4] =	wrdreg $0x9  }
0xb1: {  	_ =	task.clear_ibuf [dreg:s7], $0x5FFFF;
	_ =	strace $0x90000046  }
0xb2: {  	s29 =	simm.s32 $0x9;
	_ =	strace $0x80000048  }
0xb3: {  	_ =	swait.ge [sflag:s29], $0x1  }
0xb4: {  	[sflag:s29] =	ssyncadd.s32 $0xFFFFFFFF  }
0xb5: {  	_ =	strace $0x90000048  }
0xb6: {  	_ =	sfence  }
0xb7: {  	s30 =	sld [smem:$0x0];
	_ =	sdelay $0x2  }
0xb8: {  	s31 =	sshll.u32 s1, $0xD;
	s1 =	sshrl.u32 s1, $0x2  }
0xb9: {  	s3 =	sand.u32 $0x4000, s31;
	s1 =	sadd.s32 s1, s30  }
0xba: {  	s0 =	sor.u32 s3, s0;
	s1 =	sshll.u32 s1, $0x11  }
0xbb: {  	s0 =	sor.u32 s1, s0  }
0xbc: {  	s0 =	sadd.s32 $0x8F2B, s0  }
0xbd: {  	[sflag:s0] =	ssyncadd.remote.s32 $0x1  }
0xbe: {  	_ =	sfence.sel $0xFFFF  }
0xbf: {  	[dreg:$0x0] =	wrdreg $0xFFFFFFFF;
	(pc) =	sbr.abs _section_cstart, $3  }
0xc0: {  	[dreg:$0x1] =	wrdreg $0xFFFFFFFF  }
0xc1: {  	_ =	task.clear_ibuf [dreg:s7], $0x2FFFF;
	_ =	strace $0x9FFFFFFF  }
0xc2: {  	(tm) =	ssettm $0x7FFFFFFF  }
0xc3: {  	_ =	shalt  }
tec
execute0_lowered:
.L_overlay_start_1:
0x0: {  	(tag) =	ssettag $0x1  }
0x1: {  	s1 =	srdreg.scid  }
0x2: {  	s0 =	stileid.u32;
	s3 =	rddreg [dreg:$0x0]  }
0x3: {  	s6 =	rddreg [dreg:$0x1];
	s18 =	simm.s32 $0x880;
	s19 =	simm.s32 $0x1080  }
0x4: {  	s20 =	simm.s32 $0x1880;
	s22 =	simm.s32 $0x2080;
	s23 =	simm.s32 $0x2880  }
0x5: {  	s7 =	simm.s32 $0x3080;
	s24 =	simm.s32 $0x3880;
	s8 =	simm.s32 $0x4080  }
0x6: {  	s25 =	simm.s32 $0x4880;
	s26 =	simm.s32 $0x5080;
	s1 =	sand.u32 $0x1, s1  }
0x7: {  	s9 =	simm.s32 $0x80;
	s2 =	sshll.u32 s0, $0x7;
	s4 =	sshll.u32 s1, $0x6  }
0x8: {  	s11 =	simm.s32 $0x6080;
	s4 =	sor.u32 s4, s2;
	s2 =	simm.s32 $0x0  }
0x9: {  	s12 =	simm.s32 $0x6880;
	s13 =	simm.s32 $0x7080;
	[smem:$0x7FF] =	sst s2  }
0xa: {  	s14 =	simm.s32 $0x7880;
	_ =	strace $0x80000047;
	[dreg:$0x5] =	wrdreg s18  }
0xb: {  	s15 =	simm.s32 $0x8080;
	s16 =	simm.s32 $0x8880;
	[dreg:$0x6] =	wrdreg s19  }
0xc: {  	s17 =	simm.s32 $0x9080;
	s28 =	simm.s32 $0xE080;
	[dreg:$0x7] =	wrdreg s20  }
0xd: {  	s29 =	simm.s32 $0xE880;
	s30 =	simm.s32 $0xF080;
	[dreg:$0x8] =	wrdreg s22  }
0xe: {  	s31 =	simm.s32 $0xF880;
	s1 =	ssub.s32 $0x2, s1;
	[dreg:$0x9] =	wrdreg s23  }
0xf: {  	s21 =	sshrl.u32 s1, $0x1;
	s5 =	sshrl.u32 s4, $0x3;
	[dreg:$0xa] =	wrdreg s7  }
0x10: {  	s4 =	sshll.u32 s4, $0x7;
	s1 =	ssub.s32 s1, s21;
	[dreg:$0xb] =	wrdreg s24  }
0x11: {  	s21 =	simm.s32 $0xB080;
	s5 =	sadd.s32 s5, s6;
	[dreg:$0xc] =	wrdreg s8  }
0x12: {  	s3 =	sadd.s32 s3, s4;
	s4 =	sadd.s32 $0x3900, s6;
	[dreg:$0xd] =	wrdreg s25  }
0x13: {  	s7 =	smax.u32 s1, $0x1;
	s8 =	simm.s32 $0x2;
	[dreg:$0xe] =	wrdreg s26  }
0x14: {  	s18 =	simm.s32 $0x9880;
	s19 =	simm.s32 $0xA080;
	s20 =	simm.s32 $0xA880  }
0x15: {  	s22 =	simm.s32 $0xB880;
	s23 =	simm.s32 $0xC080;
	s24 =	simm.s32 $0xC880  }
0x16: {  	v2 =	vlaneseq.u32;
	s25 =	simm.s32 $0xD080;
	s26 =	simm.s32 $0xD880;
	s1 =	simm.s32 $0x1  }
0x17: {  	vm0 =	vmmov $0xffff;
	v1 =	vshrl.u32 v2, $0x3;
	s5 =	sadd.s32 $0x3600, s5;
	[dreg:$0x4] =	wrdreg s3;
	s3 =	sadd.s32 $0x3800, s6  }
0x18: {  	v0 =	vand.u32 $0x7, v2;
	v2 =	vor.u32 $0x8, v2;
	v1 =	vmul.u32 $0x8, v1;
	[dreg:$0x3] =	wrdreg s5;
	s5 =	sadd.s32 $0x3A00, s6;
	s6 =	sadd.s32 $0x3B00, s6  }
.LBB2_1:
0x19: {  	s0 =	rddreg [dreg:$0x3]  }
0x1a: {  	[tilespmem:s2], [sflag:$0x2] =	stream.linear.gather [hbm4b:s0+s2], $0x40, $0x38;
	[tilespmem:$0x10080] =	vst v63  }
0x1b: {  	_ =	swait.ge [sflag:s8], $0x40  }
0x1c: {  	[sflag:s8] =	ssyncset.done $0x0  }
0x1d: {  	s10 =	rddreg [dreg:$0x4];
	[sflag:s8] =	ssyncadd.s32 $0xFFFFFFC0  }
0x1e: {  	[tilespmem:s9], [sflag:$0x2] =	stream.linear.gather [hbm4b:s10+s2], $0x10000, $0x38;
	[tilespmem:$0x10080] =	vst v63  }
0x1f: {  	_ =	swait.ge [sflag:s8], $0x10000  }
0x20: {  	[sflag:s8] =	ssyncset.done $0x0  }
0x21: {  	[sflag:s8] =	ssyncadd.s32 $0xFFFF0000  }
0x22: {  	v3 =	vld [tilespmem:$0x0];
	_ =	sdelay $0x4  }
0x23: {  	v4 =	vshll.u32 v3, $0x3  }
0x24: {  	v3 =	vand.u32 $0x7, v3;
	v4 =	vand.u32 $0xFFFFFFC0, v4  }
0x25: {  	v3 =	vor.u32 v3, v4  }
0x26: {  	v4 =	vperm.xlane v3, v0;
	_ =	sdelay $0x1  }
0x27: {  	v4 =	vadd.s32 v1, v4;
	_ =	sdelay $0x4  }
0x28: {  	[hbm4b:s3+s2] =	stream.indirect_vreg.scatter [tilespmem:s9], [sflag:$0x1], $0x80, v4, vm0, $0xb8;
	[tilespmem:$0x10080] =	vst v63  }
0x29: {  	s0 =	rddreg [dreg:$0x5];
	v3 =	vperm.xlane v3, v2  }
0x2a: {  	[hbm4b:s4+s2] =	stream.indirect_vreg.scatter [tilespmem:s0], [sflag:$0x1], $0x80, v4, vm0, $0xb8;
	[tilespmem:$0x10080] =	vst v63  }
0x2b: {  	s10 =	rddreg [dreg:$0x6];
	v3 =	vadd.s32 v1, v3  }
0x2c: {  	[hbm4b:s5+s2] =	stream.indirect_vreg.scatter [tilespmem:s10], [sflag:$0x1], $0x80, v4, vm0, $0xb8;
	[tilespmem:$0x10080] =	vst v63  }
0x2d: {  	s0 =	rddreg [dreg:$0x7]  }
0x2e: {  	[hbm4b:s6+s2] =	stream.indirect_vreg.scatter [tilespmem:s0], [sflag:$0x1], $0x80, v4, vm0, $0xb8;
	[tilespmem:$0x10080] =	vst v63  }
0x2f: {  	s10 =	rddreg [dreg:$0x8]  }
0x30: {  	[hbm4b:s3+s2] =	stream.indirect_vreg.scatter [tilespmem:s10], [sflag:$0x1], $0x80, v3, vm0, $0xb8;
	[tilespmem:$0x10080] =	vst v63  }
0x31: {  	s0 =	rddreg [dreg:$0x9]  }
0x32: {  	[hbm4b:s4+s2] =	stream.indirect_vreg.scatter [tilespmem:s0], [sflag:$0x1], $0x80, v3, vm0, $0xb8;
	[tilespmem:$0x10080] =	vst v63  }
0x33: {  	s10 =	rddreg [dreg:$0xa]  }
0x34: {  	[hbm4b:s5+s2] =	stream.indirect_vreg.scatter [tilespmem:s10], [sflag:$0x1], $0x80, v3, vm0, $0xb8;
	[tilespmem:$0x10080] =	vst v63  }
0x35: {  	s0 =	rddreg [dreg:$0xb]  }
0x36: {  	[hbm4b:s6+s2] =	stream.indirect_vreg.scatter [tilespmem:s0], [sflag:$0x1], $0x80, v3, vm0, $0xb8;
	[tilespmem:$0x10080] =	vst v63  }
0x37: {  	v3 =	vld [tilespmem:$0x10];
	_ =	sdelay $0x4  }
0x38: {  	v61 =	vshll.u32 v3, $0x3  }
0x39: {  	v3 =	vand.u32 $0x7, v3;
	v4 =	vand.u32 $0xFFFFFFC0, v61  }
0x3a: {  	v3 =	vor.u32 v3, v4  }
0x3b: {  	v4 =	vperm.xlane v3, v0;
	_ =	sdelay $0x1  }
0x3c: {  	v4 =	vadd.s32 v1, v4;
	_ =	sdelay $0x3  }
0x3d: {  	s0 =	rddreg [dreg:$0xc]  }
0x3e: {  	[hbm4b:s3+s2] =	stream.indirect_vreg.scatter [tilespmem:s0], [sflag:$0x1], $0x80, v4, vm0, $0xb8;
	[tilespmem:$0x10080] =	vst v63  }
0x3f: {  	s10 =	rddreg [dreg:$0xd];
	v3 =	vperm.xlane v3, v2  }
0x40: {  	[hbm4b:s4+s2] =	stream.indirect_vreg.scatter [tilespmem:s10], [sflag:$0x1], $0x80, v4, vm0, $0xb8;
	[tilespmem:$0x10080] =	vst v63  }
0x41: {  	v3 =	vadd.s32 v1, v3;
	s0 =	rddreg [dreg:$0xe]  }
0x42: {  	[hbm4b:s5+s2] =	stream.indirect_vreg.scatter [tilespmem:s0], [sflag:$0x1], $0x80, v4, vm0, $0xb8;
	[tilespmem:$0x10080] =	vst v63  }
0x43: {  	s10 =	simm.s32 $0x5880  }
0x44: {  	[hbm4b:s6+s2] =	stream.indirect_vreg.scatter [tilespmem:s10], [sflag:$0x1], $0x80, v4, vm0, $0xb8;
	[tilespmem:$0x10080] =	vst v63  }
0x45: {  	_ = 	snop  }
0x46: {  	[hbm4b:s3+s2] =	stream.indirect_vreg.scatter [tilespmem:s11], [sflag:$0x1], $0x80, v3, vm0, $0xb8;
	[tilespmem:$0x10080] =	vst v63  }
0x47: {  	_ = 	snop  }
0x48: {  	[hbm4b:s4+s2] =	stream.indirect_vreg.scatter [tilespmem:s12], [sflag:$0x1], $0x80, v3, vm0, $0xb8;
	[tilespmem:$0x10080] =	vst v63  }
0x49: {  	_ = 	snop  }
0x4a: {  	[hbm4b:s5+s2] =	stream.indirect_vreg.scatter [tilespmem:s13], [sflag:$0x1], $0x80, v3, vm0, $0xb8;
	[tilespmem:$0x10080] =	vst v63  }
0x4b: {  	_ = 	snop  }
0x4c: {  	[hbm4b:s6+s2] =	stream.indirect_vreg.scatter [tilespmem:s14], [sflag:$0x1], $0x80, v3, vm0, $0xb8;
	[tilespmem:$0x10080] =	vst v63  }
0x4d: {  	v3 =	vld [tilespmem:$0x20];
	_ =	sdelay $0x4  }
0x4e: {  	v62 =	vshll.u32 v3, $0x3  }
0x4f: {  	v3 =	vand.u32 $0x7, v3;
	v4 =	vand.u32 $0xFFFFFFC0, v62  }
0x50: {  	v3 =	vor.u32 v3, v4  }
0x51: {  	v4 =	vperm.xlane v3, v0;
	_ =	sdelay $0x1  }
0x52: {  	v4 =	vadd.s32 v1, v4;
	_ =	sdelay $0x4  }
0x53: {  	[hbm4b:s3+s2] =	stream.indirect_vreg.scatter [tilespmem:s15], [sflag:$0x1], $0x80, v4, vm0, $0xb8;
	[tilespmem:$0x10080] =	vst v63  }
0x54: {  	v3 =	vperm.xlane v3, v2  }
0x55: {  	[hbm4b:s4+s2] =	stream.indirect_vreg.scatter [tilespmem:s16], [sflag:$0x1], $0x80, v4, vm0, $0xb8;
	[tilespmem:$0x10080] =	vst v63  }
0x56: {  	v3 =	vadd.s32 v1, v3  }
0x57: {  	[hbm4b:s5+s2] =	stream.indirect_vreg.scatter [tilespmem:s17], [sflag:$0x1], $0x80, v4, vm0, $0xb8;
	[tilespmem:$0x10080] =	vst v63  }
0x58: {  	_ = 	snop  }
0x59: {  	[hbm4b:s6+s2] =	stream.indirect_vreg.scatter [tilespmem:s18], [sflag:$0x1], $0x80, v4, vm0, $0xb8;
	[tilespmem:$0x10080] =	vst v63  }
0x5a: {  	_ = 	snop  }
0x5b: {  	[hbm4b:s3+s2] =	stream.indirect_vreg.scatter [tilespmem:s19], [sflag:$0x1], $0x80, v3, vm0, $0xb8;
	[tilespmem:$0x10080] =	vst v63  }
0x5c: {  	_ = 	snop  }
0x5d: {  	[hbm4b:s4+s2] =	stream.indirect_vreg.scatter [tilespmem:s20], [sflag:$0x1], $0x80, v3, vm0, $0xb8;
	[tilespmem:$0x10080] =	vst v63  }
0x5e: {  	_ = 	snop  }
0x5f: {  	[hbm4b:s5+s2] =	stream.indirect_vreg.scatter [tilespmem:s21], [sflag:$0x1], $0x80, v3, vm0, $0xb8;
	[tilespmem:$0x10080] =	vst v63  }
0x60: {  	_ = 	snop  }
0x61: {  	[hbm4b:s6+s2] =	stream.indirect_vreg.scatter [tilespmem:s22], [sflag:$0x1], $0x80, v3, vm0, $0xb8;
	[tilespmem:$0x10080] =	vst v63  }
0x62: {  	v3 =	vld [tilespmem:$0x30];
	_ =	sdelay $0x4  }
0x63: {  	v63 =	vshll.u32 v3, $0x3  }
0x64: {  	v3 =	vand.u32 $0x7, v3;
	v4 =	vand.u32 $0xFFFFFFC0, v63  }
0x65: {  	v3 =	vor.u32 v3, v4  }
0x66: {  	v4 =	vperm.xlane v3, v0;
	_ =	sdelay $0x1  }
0x67: {  	v4 =	vadd.s32 v1, v4;
	_ =	sdelay $0x4  }
0x68: {  	[hbm4b:s3+s2] =	stream.indirect_vreg.scatter [tilespmem:s23], [sflag:$0x1], $0x80, v4, vm0, $0xb8;
	[tilespmem:$0x10080] =	vst v63  }
0x69: {  	v3 =	vperm.xlane v3, v2  }
0x6a: {  	[hbm4b:s4+s2] =	stream.indirect_vreg.scatter [tilespmem:s24], [sflag:$0x1], $0x80, v4, vm0, $0xb8;
	[tilespmem:$0x10080] =	vst v63  }
0x6b: {  	v3 =	vadd.s32 v1, v3  }
0x6c: {  	[hbm4b:s5+s2] =	stream.indirect_vreg.scatter [tilespmem:s25], [sflag:$0x1], $0x80, v4, vm0, $0xb8;
	[tilespmem:$0x10080] =	vst v63  }
0x6d: {  	_ = 	snop  }
0x6e: {  	[hbm4b:s6+s2] =	stream.indirect_vreg.scatter [tilespmem:s26], [sflag:$0x1], $0x80, v4, vm0, $0xb8;
	[tilespmem:$0x10080] =	vst v63  }
0x6f: {  	_ = 	snop  }
0x70: {  	[hbm4b:s3+s2] =	stream.indirect_vreg.scatter [tilespmem:s28], [sflag:$0x1], $0x80, v3, vm0, $0xb8;
	[tilespmem:$0x10080] =	vst v63  }
0x71: {  	_ = 	snop  }
0x72: {  	[hbm4b:s4+s2] =	stream.indirect_vreg.scatter [tilespmem:s29], [sflag:$0x1], $0x80, v3, vm0, $0xb8;
	[tilespmem:$0x10080] =	vst v63  }
0x73: {  	p0 =	sne.s32 s7, $0x1  }
0x74: {  	[hbm4b:s5+s2] =	stream.indirect_vreg.scatter [tilespmem:s30], [sflag:$0x1], $0x80, v3, vm0, $0xb8;
	[tilespmem:$0x10080] =	vst v63  }
.Ltmp0:
0x75: {  	_ = 	snop;
	(pc) =	sbr.rel @p0 .LBB2_1-.Ltmp0, $4  }
0x76: {  	[hbm4b:s6+s2] =	stream.indirect_vreg.scatter [tilespmem:s31], [sflag:$0x1], $0x80, v3, vm0, $0xb8;
	[tilespmem:$0x10080] =	vst v63  }
0x77: {  	_ =	swait.ge [sflag:s1], $0x10000  }
0x78: {  	[sflag:s1] =	ssyncset.done $0x0  }
0x79: {  	s7 =	sadd.s32 $0xFFFFFFFF, s7;
	[sflag:s1] =	ssyncadd.s32 $0xFFFF0000  }
0x7a: {  	_ =	sfence.sel $0x180000  }
0x7b: {  	[bflag:$0x0] =	sbarrier.arrive $0xFFFF  }
0x7c: {  	_ =	strace $0x90000047  }
0x7d: {  	s0 =	stileid.u32;
	[bflag:$0x2] =	sbarrier.arrive $0xFFFF  }
0x7e: {  	p0 =	sne.s32 s0, $0x0;
	s0 =	rddreg [dreg:$0x2]  }
0x7f: {  	s0 =	sadd.s32 @!p0 $0x100000, s0  }
0x80: {  	[sflag:s0] =	ssyncadd.tile.s32 @!p0 $0x1;
	_ =	shalt  }
.Lfunc_end2:
_tile_overlayer_lowered:
.L_overlay_start_2:
0x81: {  	(tag) =	ssettag $0x2  }
0x82: {  	s0 =	rddreg [dreg:$0x0];
	s2 =	stileid.u32  }
0x83: {  	s1 =	rddreg [dreg:$0x1];
	p0 =	sne.s32 s2, $0x0  }
0x84: {  	s3 =	rddreg [dreg:$0x2];
	[bflag:$0x3] =	sbarrier.arrive $0xFFFF;
	s2 =	simm.s32 @!p0 $0x1C02  }
0x85: {  	[timem:s3], [sflag:s2] =	dma.local @!p0 [hbm:s0], s1  }
0x86: {  	s0 =	simm.s32 @!p0 $0x2  }
0x87: {  	_ =	swait.ge @!p0 [sflag:s0], s1  }
0x88: {  	s1 =	ssub.s32 @!p0 $0x0, s1;
	[sflag:s0] =	ssyncset.done @!p0 $0x0  }
0x89: {  	[sflag:s0] =	ssyncadd.s32 @!p0 s1  }
0x8a: {  	[bflag:$0x3] =	sbarrier.arrive $0xFFFF  }
0x8b: {  	_ =	shalt  }

</sc_bundles>
